<compile_context>
chip_gen: v7x
topology: tpu7x:2x2x1
jax: 0.10.2.dev20260603
libtpu: 0.0.44.dev20260713+nightly
codegen_flags: <defaults>
</compile_context>

<pallas_src>
import functools

import jax
import jax.numpy as jnp
from jax import lax
from jax.experimental import pallas as pl
from jax.experimental.pallas import tpu as pltpu
from jax.experimental.pallas import tpu_sc as plsc

D_MODEL = 1024
D_HIDDEN = 4096
N_EXPERT = 8
AUX_COEF = 0.01
N_TOK = 4096
BLK = 256
NB = N_TOK // BLK + N_EXPERT
PADN = NB * BLK
NCHUNK = 32
CHUNK = N_TOK // NCHUNK
NLEG = 4
LEG = CHUNK // NLEG
NA_LANE = 120

_SQRT1_2 = 0.7071067811865476


def _gate_kernel(gw_ref, x_ref, gb_ref, dest_ref, be_ref, p_ref, c_ref, aux_ref):
    gw = gw_ref[...]
    x = x_ref[...]
    logits = lax.dot_general(gw, x, (((1,), (1,)), ((), ())),
                             preferred_element_type=jnp.float32)
    logits = logits + gb_ref[...]
    m = jnp.max(logits, axis=0, keepdims=True)
    ex = jnp.exp(logits - m)
    probs = ex / jnp.sum(ex, axis=0, keepdims=True)

    pmax = jnp.max(probs, axis=0, keepdims=True)
    eidx = lax.broadcasted_iota(jnp.int32, (N_EXPERT, N_TOK), 0)
    top1 = jnp.min(jnp.where(probs >= pmax, eidx, N_EXPERT),
                   axis=0, keepdims=True)
    oh = (eidx == top1).astype(jnp.float32)

    counts = jnp.sum(oh, axis=1, keepdims=True)
    p_vec = jnp.sum(probs, axis=1, keepdims=True) / N_TOK
    c_vec = counts / N_TOK
    p_ref[...] = p_vec
    c_ref[...] = c_vec
    aux_ref[...] = jnp.reshape(
        jnp.sum(p_vec * c_vec) * (N_EXPERT * AUX_COEF), (1, 1))

    cnt_i = counts.astype(jnp.int32)
    nb = (cnt_i + (BLK - 1)) // BLK
    e_r = lax.broadcasted_iota(jnp.int32, (N_EXPERT, N_EXPERT), 0)
    e_c = lax.broadcasted_iota(jnp.int32, (N_EXPERT, N_EXPERT), 1)
    l_strict = (e_c < e_r).astype(jnp.float32)
    blk_start = lax.dot_general(l_strict, nb.astype(jnp.float32),
                                (((1,), (0,)), ((), ())),
                                preferred_element_type=jnp.float32)
    blk_start_i = blk_start.astype(jnp.int32)

    bs_b = jnp.broadcast_to(blk_start_i, (N_EXPERT, 128))
    ib = lax.broadcasted_iota(jnp.int32, (N_EXPERT, 128), 1)
    be = jnp.sum((bs_b <= ib).astype(jnp.int32), axis=0, keepdims=True) - 1
    n_active = jnp.sum(nb)
    lane = lax.broadcasted_iota(jnp.int32, (1, 128), 1)
    be_row = jnp.where(lane == NA_LANE, n_active, be)

    nb_b = lax.dot_general(jnp.ones((N_EXPERT, 1), jnp.float32),
                           nb.astype(jnp.float32), (((1,), (1,)), ((), ())),
                           preferred_element_type=jnp.float32)
    cand = jnp.where((e_c > e_r) & (nb_b > 0.5), e_c, N_EXPERT)
    mn = jnp.min(cand, axis=1, keepdims=True)
    e_col = lax.broadcasted_iota(jnp.int32, (N_EXPERT, 1), 0)
    nxe = jnp.where(mn > N_EXPERT - 1, e_col, mn)
    e_iota8 = lax.broadcasted_iota(jnp.int32, (N_EXPERT, 128), 0)
    be_b = jnp.broadcast_to(be, (N_EXPERT, 128))
    cmp8 = e_iota8 == be_b
    ne_row = jnp.sum(jnp.where(cmp8, jnp.broadcast_to(nxe, (N_EXPERT, 128)), 0),
                     axis=0, keepdims=True)
    nonempty_b = jnp.broadcast_to(nb > 0, (N_EXPERT, 128))
    seg_idx = jnp.sum(((e_iota8 < be_b) & nonempty_b).astype(jnp.int32),
                      axis=0, keepdims=True)
    par_row = jnp.bitwise_and(seg_idx, 1)
    bs_bb = jnp.broadcast_to(blk_start_i, (N_EXPERT, 128))
    pos_row = lane - jnp.sum(jnp.where(cmp8, bs_bb, 0), axis=0, keepdims=True)
    be_ref[...] = jnp.concatenate([be_row, ne_row, par_row, pos_row], axis=0)

    t_i = lax.broadcasted_iota(jnp.int32, (N_TOK, NCHUNK), 0)
    c_i = lax.broadcasted_iota(jnp.int32, (N_TOK, NCHUNK), 1)
    a_mat = ((t_i // CHUNK) == c_i).astype(jnp.float32)
    hist = lax.dot_general(oh, a_mat, (((1,), (0,)), ((), ())),
                           preferred_element_type=jnp.float32)
    cc_r = lax.broadcasted_iota(jnp.int32, (NCHUNK, NCHUNK), 0)
    cc_c = lax.broadcasted_iota(jnp.int32, (NCHUNK, NCHUNK), 1)
    lc = (cc_r < cc_c).astype(jnp.float32)
    cumh = lax.dot_general(hist, lc, (((1,), (0,)), ((), ())),
                           preferred_element_type=jnp.float32)
    pad_off = (blk_start_i * BLK).astype(jnp.float32)
    base = cumh + pad_off

    u_r = lax.broadcasted_iota(jnp.int32, (CHUNK, CHUNK), 0)
    u_c = lax.broadcasted_iota(jnp.int32, (CHUNK, CHUNK), 1)
    t1 = (u_r < u_c).astype(jnp.float32)
    rows = []
    for c in range(NCHUNK):
        ohc = oh[:, CHUNK * c:CHUNK * (c + 1)]
        rank = lax.dot_general(ohc, t1, (((1,), (0,)), ((), ())),
                               preferred_element_type=jnp.float32)
        slot = jnp.sum(ohc * (base[:, c:c + 1] + rank),
                       axis=0, keepdims=True)
        rows.append(slot)
    dest_ref[...] = jnp.concatenate(rows, axis=0).astype(jnp.int32)


HHALF = D_HIDDEN // 2
DHALF = D_MODEL // 2


def _ffn_kernel(be_ref, x_ref, w1_any, b1_ref, w2_any, b2_ref, y_ref,
                stage_a, stage_b, w1b2, w2b2, sem_a, sem_b):
    i = pl.program_id(0)
    n_active = be_ref[0, NA_LANE]

    @pl.when(i < n_active)
    def _():
        e = be_ref[0, i]
        ne = be_ref[1, i]
        par = be_ref[2, i]
        pos = be_ref[3, i]
        q = 1 - par
        valid = ne != e
        last = jnp.logical_and(be_ref[0, i + 1] != e, valid)

        def w1_copy(ex, half):
            return pltpu.make_async_copy(
                w1_any.at[ex, pl.ds(half * HHALF, HHALF)], stage_a, sem_a)

        def w2_copy(ex, half):
            return pltpu.make_async_copy(
                w2_any.at[ex, pl.ds(half * DHALF, DHALF)], stage_b, sem_b)

        def conv_w1(dst, half):
            w1b2[dst, pl.ds(half * HHALF, HHALF), :] = (
                stage_a[...].astype(jnp.bfloat16))

        def conv_w2(dst, half):
            w2b2[dst, pl.ds(half * DHALF, DHALF), :] = (
                stage_b[...].astype(jnp.bfloat16))

        @pl.when(i == 0)
        def _():
            w1_copy(e, 0).start()
            w2_copy(e, 0).start()
            w1_copy(e, 0).wait()
            conv_w1(par, 0)
            w1_copy(e, 1).start()
            w2_copy(e, 0).wait()
            conv_w2(par, 0)
            w2_copy(e, 1).start()
            w1_copy(e, 1).wait()
            conv_w1(par, 1)
            w2_copy(e, 1).wait()
            conv_w2(par, 1)

        xb = x_ref[...].astype(jnp.bfloat16)
        h = lax.dot_general(xb, w1b2[par], (((1,), (1,)), ((), ())),
                            preferred_element_type=jnp.float32)
        h = h + b1_ref[0]
        h = 0.5 * h * (1.0 + lax.erf(h * _SQRT1_2))
        hb = h.astype(jnp.bfloat16)
        y = lax.dot_general(hb, w2b2[par], (((1,), (1,)), ((), ())),
                            preferred_element_type=jnp.float32)
        y_ref[...] = y + b2_ref[0]

        @pl.when(jnp.logical_and(valid, pos == 0))
        def _():
            w1_copy(ne, 0).start()
            w2_copy(ne, 0).start()

        step1 = jnp.logical_or(pos == 1, jnp.logical_and(last, pos < 1))

        @pl.when(jnp.logical_and(valid, step1))
        def _():
            w1_copy(ne, 0).wait()
            conv_w1(q, 0)
            w1_copy(ne, 1).start()
            w2_copy(ne, 0).wait()
            conv_w2(q, 0)
            w2_copy(ne, 1).start()

        step2 = jnp.logical_or(pos == 2, jnp.logical_and(last, pos < 2))

        @pl.when(jnp.logical_and(valid, step2))
        def _():
            w1_copy(ne, 1).wait()
            conv_w1(q, 1)
            w2_copy(ne, 1).wait()
            conv_w2(q, 1)


@functools.cache
def _sc_kernels():
    mesh = plsc.VectorSubcoreMesh(core_axis_name="c", subcore_axis_name="s")

    scratch = [
        pltpu.VMEM((NLEG, LEG), jnp.int32),
        pltpu.VMEM((LEG, D_MODEL), jnp.float32),
        pltpu.VMEM((LEG, D_MODEL), jnp.float32),
        pltpu.SemaphoreType.DMA,
        pltpu.SemaphoreType.DMA,
    ]

    @functools.partial(
        pl.kernel, mesh=mesh,
        out_type=jax.ShapeDtypeStruct((PADN, D_MODEL), jnp.float32),
        scratch_types=scratch,
    )
    def sc_scatter(x_hbm, dest_hbm, xs_hbm, didx_v, rows_a, rows_b, sem_a, sem_b):
        wid = lax.axis_index("s") * 2 + lax.axis_index("c")
        pltpu.sync_copy(dest_hbm.at[wid], didx_v)
        bufs = (rows_a, rows_b)
        sems = (sem_a, sem_b)
        pending = [None, None]
        for j in range(NLEG):
            b = j % 2
            if pending[b] is not None:
                pending[b].wait()
            base = wid * CHUNK + j * LEG
            pltpu.sync_copy(x_hbm.at[pl.ds(base, LEG)], bufs[b])
            pending[b] = pltpu.async_copy(
                bufs[b], xs_hbm.at[didx_v.at[j]], sems[b])
        for h in pending:
            h.wait()

    @functools.partial(
        pl.kernel, mesh=mesh,
        out_type=jax.ShapeDtypeStruct((N_TOK, D_MODEL), jnp.float32),
        scratch_types=scratch,
    )
    def sc_gather(ys_hbm, dest_hbm, out_hbm, didx_v, rows_a, rows_b, sem_a, sem_b):
        wid = lax.axis_index("s") * 2 + lax.axis_index("c")
        pltpu.sync_copy(dest_hbm.at[wid], didx_v)
        bufs = (rows_a, rows_b)
        sems = (sem_a, sem_b)
        pending = [None, None]
        for j in range(NLEG):
            b = j % 2
            if pending[b] is not None:
                pending[b].wait()
                pltpu.sync_copy(bufs[b], out_hbm.at[pl.ds(wid * CHUNK + (j - 2) * LEG, LEG)])
            pending[b] = pltpu.async_copy(
                ys_hbm.at[didx_v.at[j]], bufs[b], sems[b])
        for j, h in enumerate(pending):
            h.wait()
            pltpu.sync_copy(bufs[j], out_hbm.at[pl.ds(wid * CHUNK + (NLEG - 2 + j) * LEG, LEG)])

    return sc_scatter, sc_gather


def kernel(x, gate_w, gate_b, w1, b1, w2, b2):
    Bb, Ll, D = x.shape
    x_flat = x.reshape(N_TOK, D)

    dest, be, p_col, c_col, aux11 = pl.pallas_call(
        _gate_kernel,
        out_shape=[
            jax.ShapeDtypeStruct((NCHUNK, CHUNK), jnp.int32),
            jax.ShapeDtypeStruct((4, 128), jnp.int32),
            jax.ShapeDtypeStruct((N_EXPERT, 1), jnp.float32),
            jax.ShapeDtypeStruct((N_EXPERT, 1), jnp.float32),
            jax.ShapeDtypeStruct((1, 1), jnp.float32),
        ],
    )(gate_w, x_flat, gate_b.reshape(N_EXPERT, 1))

    sc_scatter, sc_gather = _sc_kernels()
    dest3 = dest.reshape(NCHUNK, NLEG, LEG)
    x_sorted = sc_scatter(x_flat, dest3)

    y_sorted = pl.pallas_call(
        _ffn_kernel,
        grid_spec=pltpu.PrefetchScalarGridSpec(
            num_scalar_prefetch=1,
            grid=(NB,),
            in_specs=[
                pl.BlockSpec((BLK, D_MODEL), lambda i, be: (i, 0)),
                pl.BlockSpec(memory_space=pl.ANY),
                pl.BlockSpec((1, 1, D_HIDDEN), lambda i, be: (be[0, i], 0, 0)),
                pl.BlockSpec(memory_space=pl.ANY),
                pl.BlockSpec((1, 1, D_MODEL), lambda i, be: (be[0, i], 0, 0)),
            ],
            out_specs=pl.BlockSpec((BLK, D_MODEL), lambda i, be: (i, 0)),
            scratch_shapes=[
                pltpu.VMEM((D_HIDDEN // 2, D_MODEL), jnp.float32),
                pltpu.VMEM((D_MODEL // 2, D_HIDDEN), jnp.float32),
                pltpu.VMEM((2, D_HIDDEN, D_MODEL), jnp.bfloat16),
                pltpu.VMEM((2, D_MODEL, D_HIDDEN), jnp.bfloat16),
                pltpu.SemaphoreType.DMA,
                pltpu.SemaphoreType.DMA,
            ],
        ),
        out_shape=jax.ShapeDtypeStruct((PADN, D_MODEL), jnp.float32),
        compiler_params=pltpu.CompilerParams(
            vmem_limit_bytes=62 * 1024 * 1024),
    )(be, x_sorted, w1, b1.reshape(N_EXPERT, 1, D_HIDDEN),
      w2, b2.reshape(N_EXPERT, 1, D_MODEL))

    out_flat = sc_gather(y_sorted, dest3)

    out = out_flat.reshape(Bb, Ll, D)
    return (out, aux11[0, 0], p_col[:, 0], c_col[:, 0])

# --- scband reference (transcript-rebuilt; emitter-appended) ---
"""Pipeline reference for scband-mo-effn-23021024706754 (READ-ONLY COPY).

The authoritative reference and input builder live on the scoring server;
editing this copy changes nothing except your own understanding.
"""

import jax, jax.numpy as jnp
import numpy as np

D_MODEL = 1024
D_HIDDEN = 4096
N_EXPERT = 8
AUX_COEF = 0.01
B, L = 2, 2048

def setup_inputs(seed: int = 0) -> dict:
    key = jax.random.key(seed)
    ks = jax.random.split(key, 7)
    x = jax.random.normal(ks[0], (B, L, D_MODEL), dtype=jnp.float32)
    s = 1.0 / np.sqrt(D_MODEL)
    gate_w = jax.random.uniform(ks[1], (N_EXPERT, D_MODEL), minval=-s, maxval=s, dtype=jnp.float32)
    gate_b = jax.random.uniform(ks[2], (N_EXPERT,), minval=-s, maxval=s, dtype=jnp.float32)
    w1 = jax.random.uniform(ks[3], (N_EXPERT, D_HIDDEN, D_MODEL), minval=-s, maxval=s, dtype=jnp.float32)
    b1 = jax.random.uniform(ks[4], (N_EXPERT, D_HIDDEN), minval=-s, maxval=s, dtype=jnp.float32)
    s2 = 1.0 / np.sqrt(D_HIDDEN)
    w2 = jax.random.uniform(ks[5], (N_EXPERT, D_MODEL, D_HIDDEN), minval=-s2, maxval=s2, dtype=jnp.float32)
    b2 = jax.random.uniform(ks[6], (N_EXPERT, D_MODEL), minval=-s2, maxval=s2, dtype=jnp.float32)
    return {"x": x, "gate_w": gate_w, "gate_b": gate_b, "w1": w1, "b1": b1, "w2": w2, "b2": b2}

def reference(x, gate_w, gate_b, w1, b1, w2, b2):
    Bb, Ll, D = x.shape
    N = Bb * Ll
    # gating (no gate_ctx)
    gate_logits = x @ gate_w.T + gate_b
    gate_probs = jax.nn.softmax(gate_logits, axis=-1)
    flat_probs = gate_probs.reshape(N, N_EXPERT)
    top1_idx = jnp.argmax(flat_probs, axis=1)
    x_flat = x.reshape(N, D)
    outputs = jnp.zeros((N, D), dtype=x.dtype)
    for e in range(N_EXPERT):
        mask = (top1_idx == e)
        h = jax.nn.gelu(x_flat @ w1[e].T + b1[e], approximate=False)
        expert_out = h @ w2[e].T + b2[e]
        # dropout with p=0.0 is identity
        outputs = jnp.where(mask[:, None], expert_out, outputs)
    out = outputs.reshape(Bb, Ll, D)
    P = jax.lax.stop_gradient(flat_probs.mean(axis=0))
    assigned_counts = jnp.bincount(top1_idx, minlength=N_EXPERT, length=N_EXPERT).astype(jnp.float32)
    C = assigned_counts / N
    aux_loss = N_EXPERT * jnp.dot(P, C) * AUX_COEF
    return (out, aux_loss, P, C)

if __name__ == "__main__":
    import jax
    _d = setup_inputs()
    print(jax.jit(kernel)(*tuple(_d.values())))

</pallas_src>

<mosaic_0001>
#map = affine_map<(d0, d1) -> (0, 0)>
#map1 = affine_map<(d0, d1) -> (0, 0, 0)>
module attributes {stable_mosaic.version = 14 : i64} {
  func.func @sc_scatter(%arg0: i32, %arg1: i32, %arg2: memref<4096x1024xf32, #tpu.memory_space<hbm>>, %arg3: memref<32x4x32xi32, #tpu.memory_space<hbm>>, %arg4: memref<6144x1024xf32, #tpu.memory_space<hbm>>, %arg5: memref<4x32xi32, #tpu.memory_space<vmem>>, %arg6: memref<32x1024xf32, #tpu.memory_space<vmem>>, %arg7: memref<32x1024xf32, #tpu.memory_space<vmem>>, %arg8: memref<!tpu.dma_semaphore, #tpu.memory_space<semaphore_mem>>, %arg9: memref<!tpu.dma_semaphore, #tpu.memory_space<semaphore_mem>>) attributes {dimension_semantics = [#tpu.dimension_semantics<core_parallel>, #tpu.dimension_semantics<subcore_parallel>], iteration_bounds = array<i64: 2, 16>, scalar_prefetch = 0 : i64, scratch_operands = 5 : i64, tpu.core_type = #tpu.core_type<sc_vector_subcore>, window_params = [{transform_indices = #map}, {transform_indices = #map1}, {transform_indices = #map}]} {
    %mul3A = arith.constant 2 : i32
    %mul3A_0 = arith.muli %arg1, %mul3A : i32
    %add3A = arith.addi %mul3A_0, %arg0 : i32
    "tpu.region"() ({
      %run_scoped3A = tpu.sem_alloc : memref<!tpu.dma_semaphore, #tpu.memory_space<semaphore_mem>>
      %dma_start3A_71 = arith.constant 0 : i32
      %dma_start3A_72 = arith.constant 0 : i32
      %dma_start3A_73 = tpu.memref_slice %arg3[%add3A, %dma_start3A_71, %dma_start3A_72] : memref<32x4x32xi32, #tpu.memory_space<hbm>> -> memref<1x4x32xi32, #tpu.memory_space<hbm>>
      %dma_start3A_74 = tpu.memref_squeeze %dma_start3A_73 : memref<1x4x32xi32, #tpu.memory_space<hbm>> -> memref<4x32xi32, #tpu.memory_space<hbm>>
      %dma_start3A_75 = arith.constant 0 : i32
      %dma_start3A_76 = arith.constant 0 : i32
      %dma_start3A_77 = tpu.memref_slice %arg3[%add3A, %dma_start3A_75, %dma_start3A_76] : memref<32x4x32xi32, #tpu.memory_space<hbm>> -> memref<1x4x32xi32, #tpu.memory_space<hbm>>
      %dma_start3A_78 = tpu.memref_squeeze %dma_start3A_77 : memref<1x4x32xi32, #tpu.memory_space<hbm>> -> memref<4x32xi32, #tpu.memory_space<hbm>>
      tpu.enqueue_dma source(%dma_start3A_78 : memref<4x32xi32, #tpu.memory_space<hbm>>) target(%arg5 : memref<4x32xi32, #tpu.memory_space<vmem>>) target_semaphore(%run_scoped3A : memref<!tpu.dma_semaphore, #tpu.memory_space<semaphore_mem>>)
      %dma_wait3A_79 = arith.constant 0 : i32
      %dma_wait3A_80 = arith.constant 0 : i32
      %dma_wait3A_81 = tpu.memref_slice %arg3[%add3A, %dma_wait3A_79, %dma_wait3A_80] : memref<32x4x32xi32, #tpu.memory_space<hbm>> -> memref<1x4x32xi32, #tpu.memory_space<hbm>>
      %dma_wait3A_82 = tpu.memref_squeeze %dma_wait3A_81 : memref<1x4x32xi32, #tpu.memory_space<hbm>> -> memref<4x32xi32, #tpu.memory_space<hbm>>
      %dma_wait3A_83 = arith.constant 0 : i32
      %dma_wait3A_84 = arith.constant 0 : i32
      %dma_wait3A_85 = tpu.memref_slice %arg3[%add3A, %dma_wait3A_83, %dma_wait3A_84] : memref<32x4x32xi32, #tpu.memory_space<hbm>> -> memref<1x4x32xi32, #tpu.memory_space<hbm>>
      %dma_wait3A_86 = tpu.memref_squeeze %dma_wait3A_85 : memref<1x4x32xi32, #tpu.memory_space<hbm>> -> memref<4x32xi32, #tpu.memory_space<hbm>>
      tpu.wait_dma2 semaphore(%run_scoped3A : memref<!tpu.dma_semaphore, #tpu.memory_space<semaphore_mem>>) src(%dma_wait3A_86 : memref<4x32xi32, #tpu.memory_space<hbm>>) dst(%arg5 : memref<4x32xi32, #tpu.memory_space<vmem>>)
      tpu.yield
    }) : () -> ()
    %mul3A_1 = arith.constant 128 : i32
    %mul3A_2 = arith.muli %add3A, %mul3A_1 : i32
    %add3A_3 = arith.constant 0 : i32
    %add3A_4 = arith.addi %mul3A_2, %add3A_3 : i32
    "tpu.region"() ({
      %run_scoped3A = tpu.sem_alloc : memref<!tpu.dma_semaphore, #tpu.memory_space<semaphore_mem>>
      %dma_start3A_71 = arith.constant 0 : i32
      %dma_start3A_72 = tpu.memref_slice %arg2[%add3A_4, %dma_start3A_71] : memref<4096x1024xf32, #tpu.memory_space<hbm>> -> memref<32x1024xf32, #tpu.memory_space<hbm>>
      %dma_start3A_73 = arith.constant 0 : i32
      %dma_start3A_74 = tpu.memref_slice %arg2[%add3A_4, %dma_start3A_73] : memref<4096x1024xf32, #tpu.memory_space<hbm>> -> memref<32x1024xf32, #tpu.memory_space<hbm>>
      tpu.enqueue_dma source(%dma_start3A_74 : memref<32x1024xf32, #tpu.memory_space<hbm>>) target(%arg6 : memref<32x1024xf32, #tpu.memory_space<vmem>>) target_semaphore(%run_scoped3A : memref<!tpu.dma_semaphore, #tpu.memory_space<semaphore_mem>>)
      %dma_wait3A_75 = arith.constant 0 : i32
      %dma_wait3A_76 = tpu.memref_slice %arg2[%add3A_4, %dma_wait3A_75] : memref<4096x1024xf32, #tpu.memory_space<hbm>> -> memref<32x1024xf32, #tpu.memory_space<hbm>>
      %dma_wait3A_77 = arith.constant 0 : i32
      %dma_wait3A_78 = tpu.memref_slice %arg2[%add3A_4, %dma_wait3A_77] : memref<4096x1024xf32, #tpu.memory_space<hbm>> -> memref<32x1024xf32, #tpu.memory_space<hbm>>
      tpu.wait_dma2 semaphore(%run_scoped3A : memref<!tpu.dma_semaphore, #tpu.memory_space<semaphore_mem>>) src(%dma_wait3A_78 : memref<32x1024xf32, #tpu.memory_space<hbm>>) dst(%arg6 : memref<32x1024xf32, #tpu.memory_space<vmem>>)
      tpu.yield
    }) : () -> ()
    %dma_start3A = arith.constant 0 : i32
    %dma_start3A_5 = arith.constant 0 : i32
    %dma_start3A_6 = tpu.memref_slice %arg5[%dma_start3A, %dma_start3A_5] : memref<4x32xi32, #tpu.memory_space<vmem>> -> memref<1x32xi32, #tpu.memory_space<vmem>>
    %dma_start3A_7 = tpu.memref_squeeze %dma_start3A_6 : memref<1x32xi32, #tpu.memory_space<vmem>> -> memref<32xi32, #tpu.memory_space<vmem>>
    %dma_start3A_8 = arith.constant 0 : i32
    %dma_start3A_9 = arith.constant 0 : i32
    %dma_start3A_10 = tpu.memref_slice %arg4[%dma_start3A_8, %dma_start3A_9] : memref<6144x1024xf32, #tpu.memory_space<hbm>> -> memref<6144x1024xf32, #tpu.memory_space<hbm>>
    tpu.enqueue_indirect_dma source(%arg6 : memref<32x1024xf32, #tpu.memory_space<vmem>>) target(%dma_start3A_10 : memref<6144x1024xf32, #tpu.memory_space<hbm>>) offsets(%dma_start3A_7 : memref<32xi32, #tpu.memory_space<vmem>>) semaphore(%arg8 : memref<!tpu.dma_semaphore, #tpu.memory_space<semaphore_mem>>)
    %mul3A_11 = arith.constant 128 : i32
    %mul3A_12 = arith.muli %add3A, %mul3A_11 : i32
    %add3A_13 = arith.constant 32 : i32
    %add3A_14 = arith.addi %mul3A_12, %add3A_13 : i32
    "tpu.region"() ({
      %run_scoped3A = tpu.sem_alloc : memref<!tpu.dma_semaphore, #tpu.memory_space<semaphore_mem>>
      %dma_start3A_71 = arith.constant 0 : i32
      %dma_start3A_72 = tpu.memref_slice %arg2[%add3A_14, %dma_start3A_71] : memref<4096x1024xf32, #tpu.memory_space<hbm>> -> memref<32x1024xf32, #tpu.memory_space<hbm>>
      %dma_start3A_73 = arith.constant 0 : i32
      %dma_start3A_74 = tpu.memref_slice %arg2[%add3A_14, %dma_start3A_73] : memref<4096x1024xf32, #tpu.memory_space<hbm>> -> memref<32x1024xf32, #tpu.memory_space<hbm>>
      tpu.enqueue_dma source(%dma_start3A_74 : memref<32x1024xf32, #tpu.memory_space<hbm>>) target(%arg7 : memref<32x1024xf32, #tpu.memory_space<vmem>>) target_semaphore(%run_scoped3A : memref<!tpu.dma_semaphore, #tpu.memory_space<semaphore_mem>>)
      %dma_wait3A_75 = arith.constant 0 : i32
      %dma_wait3A_76 = tpu.memref_slice %arg2[%add3A_14, %dma_wait3A_75] : memref<4096x1024xf32, #tpu.memory_space<hbm>> -> memref<32x1024xf32, #tpu.memory_space<hbm>>
      %dma_wait3A_77 = arith.constant 0 : i32
      %dma_wait3A_78 = tpu.memref_slice %arg2[%add3A_14, %dma_wait3A_77] : memref<4096x1024xf32, #tpu.memory_space<hbm>> -> memref<32x1024xf32, #tpu.memory_space<hbm>>
      tpu.wait_dma2 semaphore(%run_scoped3A : memref<!tpu.dma_semaphore, #tpu.memory_space<semaphore_mem>>) src(%dma_wait3A_78 : memref<32x1024xf32, #tpu.memory_space<hbm>>) dst(%arg7 : memref<32x1024xf32, #tpu.memory_space<vmem>>)
      tpu.yield
    }) : () -> ()
    %dma_start3A_15 = arith.constant 1 : i32
    %dma_start3A_16 = arith.constant 0 : i32
    %dma_start3A_17 = tpu.memref_slice %arg5[%dma_start3A_15, %dma_start3A_16] : memref<4x32xi32, #tpu.memory_space<vmem>> -> memref<1x32xi32, #tpu.memory_space<vmem>>
    %dma_start3A_18 = tpu.memref_squeeze %dma_start3A_17 : memref<1x32xi32, #tpu.memory_space<vmem>> -> memref<32xi32, #tpu.memory_space<vmem>>
    %dma_start3A_19 = arith.constant 0 : i32
    %dma_start3A_20 = arith.constant 0 : i32
    %dma_start3A_21 = tpu.memref_slice %arg4[%dma_start3A_19, %dma_start3A_20] : memref<6144x1024xf32, #tpu.memory_space<hbm>> -> memref<6144x1024xf32, #tpu.memory_space<hbm>>
    tpu.enqueue_indirect_dma source(%arg7 : memref<32x1024xf32, #tpu.memory_space<vmem>>) target(%dma_start3A_21 : memref<6144x1024xf32, #tpu.memory_space<hbm>>) offsets(%dma_start3A_18 : memref<32xi32, #tpu.memory_space<vmem>>) semaphore(%arg9 : memref<!tpu.dma_semaphore, #tpu.memory_space<semaphore_mem>>)
    %dma_wait3A = arith.constant 0 : i32
    %dma_wait3A_22 = arith.constant 0 : i32
    %dma_wait3A_23 = tpu.memref_slice %arg5[%dma_wait3A, %dma_wait3A_22] : memref<4x32xi32, #tpu.memory_space<vmem>> -> memref<1x32xi32, #tpu.memory_space<vmem>>
    %dma_wait3A_24 = tpu.memref_squeeze %dma_wait3A_23 : memref<1x32xi32, #tpu.memory_space<vmem>> -> memref<32xi32, #tpu.memory_space<vmem>>
    %dma_wait3A_25 = arith.constant 0 : i32
    %dma_wait3A_26 = arith.constant 0 : i32
    %dma_wait3A_27 = tpu.memref_slice %arg4[%dma_wait3A_25, %dma_wait3A_26] : memref<6144x1024xf32, #tpu.memory_space<hbm>> -> memref<6144x1024xf32, #tpu.memory_space<hbm>>
    tpu.wait_indirect_dma semaphore(%arg8 : memref<!tpu.dma_semaphore, #tpu.memory_space<semaphore_mem>>) src(%arg6 : memref<32x1024xf32, #tpu.memory_space<vmem>>) dst(%dma_wait3A_27 : memref<6144x1024xf32, #tpu.memory_space<hbm>>)
    %mul3A_28 = arith.constant 128 : i32
    %mul3A_29 = arith.muli %add3A, %mul3A_28 : i32
    %add3A_30 = arith.constant 64 : i32
    %add3A_31 = arith.addi %mul3A_29, %add3A_30 : i32
    "tpu.region"() ({
      %run_scoped3A = tpu.sem_alloc : memref<!tpu.dma_semaphore, #tpu.memory_space<semaphore_mem>>
      %dma_start3A_71 = arith.constant 0 : i32
      %dma_start3A_72 = tpu.memref_slice %arg2[%add3A_31, %dma_start3A_71] : memref<4096x1024xf32, #tpu.memory_space<hbm>> -> memref<32x1024xf32, #tpu.memory_space<hbm>>
      %dma_start3A_73 = arith.constant 0 : i32
      %dma_start3A_74 = tpu.memref_slice %arg2[%add3A_31, %dma_start3A_73] : memref<4096x1024xf32, #tpu.memory_space<hbm>> -> memref<32x1024xf32, #tpu.memory_space<hbm>>
      tpu.enqueue_dma source(%dma_start3A_74 : memref<32x1024xf32, #tpu.memory_space<hbm>>) target(%arg6 : memref<32x1024xf32, #tpu.memory_space<vmem>>) target_semaphore(%run_scoped3A : memref<!tpu.dma_semaphore, #tpu.memory_space<semaphore_mem>>)
      %dma_wait3A_75 = arith.constant 0 : i32
      %dma_wait3A_76 = tpu.memref_slice %arg2[%add3A_31, %dma_wait3A_75] : memref<4096x1024xf32, #tpu.memory_space<hbm>> -> memref<32x1024xf32, #tpu.memory_space<hbm>>
      %dma_wait3A_77 = arith.constant 0 : i32
      %dma_wait3A_78 = tpu.memref_slice %arg2[%add3A_31, %dma_wait3A_77] : memref<4096x1024xf32, #tpu.memory_space<hbm>> -> memref<32x1024xf32, #tpu.memory_space<hbm>>
      tpu.wait_dma2 semaphore(%run_scoped3A : memref<!tpu.dma_semaphore, #tpu.memory_space<semaphore_mem>>) src(%dma_wait3A_78 : memref<32x1024xf32, #tpu.memory_space<hbm>>) dst(%arg6 : memref<32x1024xf32, #tpu.memory_space<vmem>>)
      tpu.yield
    }) : () -> ()
    %dma_start3A_32 = arith.constant 2 : i32
    %dma_start3A_33 = arith.constant 0 : i32
    %dma_start3A_34 = tpu.memref_slice %arg5[%dma_start3A_32, %dma_start3A_33] : memref<4x32xi32, #tpu.memory_space<vmem>> -> memref<1x32xi32, #tpu.memory_space<vmem>>
    %dma_start3A_35 = tpu.memref_squeeze %dma_start3A_34 : memref<1x32xi32, #tpu.memory_space<vmem>> -> memref<32xi32, #tpu.memory_space<vmem>>
    %dma_start3A_36 = arith.constant 0 : i32
    %dma_start3A_37 = arith.constant 0 : i32
    %dma_start3A_38 = tpu.memref_slice %arg4[%dma_start3A_36, %dma_start3A_37] : memref<6144x1024xf32, #tpu.memory_space<hbm>> -> memref<6144x1024xf32, #tpu.memory_space<hbm>>
    tpu.enqueue_indirect_dma source(%arg6 : memref<32x1024xf32, #tpu.memory_space<vmem>>) target(%dma_start3A_38 : memref<6144x1024xf32, #tpu.memory_space<hbm>>) offsets(%dma_start3A_35 : memref<32xi32, #tpu.memory_space<vmem>>) semaphore(%arg8 : memref<!tpu.dma_semaphore, #tpu.memory_space<semaphore_mem>>)
    %dma_wait3A_39 = arith.constant 1 : i32
    %dma_wait3A_40 = arith.constant 0 : i32
    %dma_wait3A_41 = tpu.memref_slice %arg5[%dma_wait3A_39, %dma_wait3A_40] : memref<4x32xi32, #tpu.memory_space<vmem>> -> memref<1x32xi32, #tpu.memory_space<vmem>>
    %dma_wait3A_42 = tpu.memref_squeeze %dma_wait3A_41 : memref<1x32xi32, #tpu.memory_space<vmem>> -> memref<32xi32, #tpu.memory_space<vmem>>
    %dma_wait3A_43 = arith.constant 0 : i32
    %dma_wait3A_44 = arith.constant 0 : i32
    %dma_wait3A_45 = tpu.memref_slice %arg4[%dma_wait3A_43, %dma_wait3A_44] : memref<6144x1024xf32, #tpu.memory_space<hbm>> -> memref<6144x1024xf32, #tpu.memory_space<hbm>>
    tpu.wait_indirect_dma semaphore(%arg9 : memref<!tpu.dma_semaphore, #tpu.memory_space<semaphore_mem>>) src(%arg7 : memref<32x1024xf32, #tpu.memory_space<vmem>>) dst(%dma_wait3A_45 : memref<6144x1024xf32, #tpu.memory_space<hbm>>)
    %mul3A_46 = arith.constant 128 : i32
    %mul3A_47 = arith.muli %add3A, %mul3A_46 : i32
    %add3A_48 = arith.constant 96 : i32
    %add3A_49 = arith.addi %mul3A_47, %add3A_48 : i32
    "tpu.region"() ({
      %run_scoped3A = tpu.sem_alloc : memref<!tpu.dma_semaphore, #tpu.memory_space<semaphore_mem>>
      %dma_start3A_71 = arith.constant 0 : i32
      %dma_start3A_72 = tpu.memref_slice %arg2[%add3A_49, %dma_start3A_71] : memref<4096x1024xf32, #tpu.memory_space<hbm>> -> memref<32x1024xf32, #tpu.memory_space<hbm>>
      %dma_start3A_73 = arith.constant 0 : i32
      %dma_start3A_74 = tpu.memref_slice %arg2[%add3A_49, %dma_start3A_73] : memref<4096x1024xf32, #tpu.memory_space<hbm>> -> memref<32x1024xf32, #tpu.memory_space<hbm>>
      tpu.enqueue_dma source(%dma_start3A_74 : memref<32x1024xf32, #tpu.memory_space<hbm>>) target(%arg7 : memref<32x1024xf32, #tpu.memory_space<vmem>>) target_semaphore(%run_scoped3A : memref<!tpu.dma_semaphore, #tpu.memory_space<semaphore_mem>>)
      %dma_wait3A_75 = arith.constant 0 : i32
      %dma_wait3A_76 = tpu.memref_slice %arg2[%add3A_49, %dma_wait3A_75] : memref<4096x1024xf32, #tpu.memory_space<hbm>> -> memref<32x1024xf32, #tpu.memory_space<hbm>>
      %dma_wait3A_77 = arith.constant 0 : i32
      %dma_wait3A_78 = tpu.memref_slice %arg2[%add3A_49, %dma_wait3A_77] : memref<4096x1024xf32, #tpu.memory_space<hbm>> -> memref<32x1024xf32, #tpu.memory_space<hbm>>
      tpu.wait_dma2 semaphore(%run_scoped3A : memref<!tpu.dma_semaphore, #tpu.memory_space<semaphore_mem>>) src(%dma_wait3A_78 : memref<32x1024xf32, #tpu.memory_space<hbm>>) dst(%arg7 : memref<32x1024xf32, #tpu.memory_space<vmem>>)
      tpu.yield
    }) : () -> ()
    %dma_start3A_50 = arith.constant 3 : i32
    %dma_start3A_51 = arith.constant 0 : i32
    %dma_start3A_52 = tpu.memref_slice %arg5[%dma_start3A_50, %dma_start3A_51] : memref<4x32xi32, #tpu.memory_space<vmem>> -> memref<1x32xi32, #tpu.memory_space<vmem>>
    %dma_start3A_53 = tpu.memref_squeeze %dma_start3A_52 : memref<1x32xi32, #tpu.memory_space<vmem>> -> memref<32xi32, #tpu.memory_space<vmem>>
    %dma_start3A_54 = arith.constant 0 : i32
    %dma_start3A_55 = arith.constant 0 : i32
    %dma_start3A_56 = tpu.memref_slice %arg4[%dma_start3A_54, %dma_start3A_55] : memref<6144x1024xf32, #tpu.memory_space<hbm>> -> memref<6144x1024xf32, #tpu.memory_space<hbm>>
    tpu.enqueue_indirect_dma source(%arg7 : memref<32x1024xf32, #tpu.memory_space<vmem>>) target(%dma_start3A_56 : memref<6144x1024xf32, #tpu.memory_space<hbm>>) offsets(%dma_start3A_53 : memref<32xi32, #tpu.memory_space<vmem>>) semaphore(%arg9 : memref<!tpu.dma_semaphore, #tpu.memory_space<semaphore_mem>>)
    %dma_wait3A_57 = arith.constant 2 : i32
    %dma_wait3A_58 = arith.constant 0 : i32
    %dma_wait3A_59 = tpu.memref_slice %arg5[%dma_wait3A_57, %dma_wait3A_58] : memref<4x32xi32, #tpu.memory_space<vmem>> -> memref<1x32xi32, #tpu.memory_space<vmem>>
    %dma_wait3A_60 = tpu.memref_squeeze %dma_wait3A_59 : memref<1x32xi32, #tpu.memory_space<vmem>> -> memref<32xi32, #tpu.memory_space<vmem>>
    %dma_wait3A_61 = arith.constant 0 : i32
    %dma_wait3A_62 = arith.constant 0 : i32
    %dma_wait3A_63 = tpu.memref_slice %arg4[%dma_wait3A_61, %dma_wait3A_62] : memref<6144x1024xf32, #tpu.memory_space<hbm>> -> memref<6144x1024xf32, #tpu.memory_space<hbm>>
    tpu.wait_indirect_dma semaphore(%arg8 : memref<!tpu.dma_semaphore, #tpu.memory_space<semaphore_mem>>) src(%arg6 : memref<32x1024xf32, #tpu.memory_space<vmem>>) dst(%dma_wait3A_63 : memref<6144x1024xf32, #tpu.memory_space<hbm>>)
    %dma_wait3A_64 = arith.constant 3 : i32
    %dma_wait3A_65 = arith.constant 0 : i32
    %dma_wait3A_66 = tpu.memref_slice %arg5[%dma_wait3A_64, %dma_wait3A_65] : memref<4x32xi32, #tpu.memory_space<vmem>> -> memref<1x32xi32, #tpu.memory_space<vmem>>
    %dma_wait3A_67 = tpu.memref_squeeze %dma_wait3A_66 : memref<1x32xi32, #tpu.memory_space<vmem>> -> memref<32xi32, #tpu.memory_space<vmem>>
    %dma_wait3A_68 = arith.constant 0 : i32
    %dma_wait3A_69 = arith.constant 0 : i32
    %dma_wait3A_70 = tpu.memref_slice %arg4[%dma_wait3A_68, %dma_wait3A_69] : memref<6144x1024xf32, #tpu.memory_space<hbm>> -> memref<6144x1024xf32, #tpu.memory_space<hbm>>
    tpu.wait_indirect_dma semaphore(%arg9 : memref<!tpu.dma_semaphore, #tpu.memory_space<semaphore_mem>>) src(%arg7 : memref<32x1024xf32, #tpu.memory_space<vmem>>) dst(%dma_wait3A_70 : memref<6144x1024xf32, #tpu.memory_space<hbm>>)
    return
  }
}

#map = affine_map<(d0, d1) -> (0, 0)>
#map1 = affine_map<(d0, d1) -> (0, 0, 0)>
module attributes {stable_mosaic.version = 14 : i64} {
  func.func @sc_gather(%arg0: i32, %arg1: i32, %arg2: memref<6144x1024xf32, #tpu.memory_space<hbm>>, %arg3: memref<32x4x32xi32, #tpu.memory_space<hbm>>, %arg4: memref<4096x1024xf32, #tpu.memory_space<hbm>>, %arg5: memref<4x32xi32, #tpu.memory_space<vmem>>, %arg6: memref<32x1024xf32, #tpu.memory_space<vmem>>, %arg7: memref<32x1024xf32, #tpu.memory_space<vmem>>, %arg8: memref<!tpu.dma_semaphore, #tpu.memory_space<semaphore_mem>>, %arg9: memref<!tpu.dma_semaphore, #tpu.memory_space<semaphore_mem>>) attributes {dimension_semantics = [#tpu.dimension_semantics<core_parallel>, #tpu.dimension_semantics<subcore_parallel>], iteration_bounds = array<i64: 2, 16>, scalar_prefetch = 0 : i64, scratch_operands = 5 : i64, tpu.core_type = #tpu.core_type<sc_vector_subcore>, window_params = [{transform_indices = #map}, {transform_indices = #map1}, {transform_indices = #map}]} {
    %mul3A = arith.constant 2 : i32
    %mul3A_0 = arith.muli %arg1, %mul3A : i32
    %add3A = arith.addi %mul3A_0, %arg0 : i32
    "tpu.region"() ({
      %run_scoped3A = tpu.sem_alloc : memref<!tpu.dma_semaphore, #tpu.memory_space<semaphore_mem>>
      %dma_start3A_71 = arith.constant 0 : i32
      %dma_start3A_72 = arith.constant 0 : i32
      %dma_start3A_73 = tpu.memref_slice %arg3[%add3A, %dma_start3A_71, %dma_start3A_72] : memref<32x4x32xi32, #tpu.memory_space<hbm>> -> memref<1x4x32xi32, #tpu.memory_space<hbm>>
      %dma_start3A_74 = tpu.memref_squeeze %dma_start3A_73 : memref<1x4x32xi32, #tpu.memory_space<hbm>> -> memref<4x32xi32, #tpu.memory_space<hbm>>
      %dma_start3A_75 = arith.constant 0 : i32
      %dma_start3A_76 = arith.constant 0 : i32
      %dma_start3A_77 = tpu.memref_slice %arg3[%add3A, %dma_start3A_75, %dma_start3A_76] : memref<32x4x32xi32, #tpu.memory_space<hbm>> -> memref<1x4x32xi32, #tpu.memory_space<hbm>>
      %dma_start3A_78 = tpu.memref_squeeze %dma_start3A_77 : memref<1x4x32xi32, #tpu.memory_space<hbm>> -> memref<4x32xi32, #tpu.memory_space<hbm>>
      tpu.enqueue_dma source(%dma_start3A_78 : memref<4x32xi32, #tpu.memory_space<hbm>>) target(%arg5 : memref<4x32xi32, #tpu.memory_space<vmem>>) target_semaphore(%run_scoped3A : memref<!tpu.dma_semaphore, #tpu.memory_space<semaphore_mem>>)
      %dma_wait3A_79 = arith.constant 0 : i32
      %dma_wait3A_80 = arith.constant 0 : i32
      %dma_wait3A_81 = tpu.memref_slice %arg3[%add3A, %dma_wait3A_79, %dma_wait3A_80] : memref<32x4x32xi32, #tpu.memory_space<hbm>> -> memref<1x4x32xi32, #tpu.memory_space<hbm>>
      %dma_wait3A_82 = tpu.memref_squeeze %dma_wait3A_81 : memref<1x4x32xi32, #tpu.memory_space<hbm>> -> memref<4x32xi32, #tpu.memory_space<hbm>>
      %dma_wait3A_83 = arith.constant 0 : i32
      %dma_wait3A_84 = arith.constant 0 : i32
      %dma_wait3A_85 = tpu.memref_slice %arg3[%add3A, %dma_wait3A_83, %dma_wait3A_84] : memref<32x4x32xi32, #tpu.memory_space<hbm>> -> memref<1x4x32xi32, #tpu.memory_space<hbm>>
      %dma_wait3A_86 = tpu.memref_squeeze %dma_wait3A_85 : memref<1x4x32xi32, #tpu.memory_space<hbm>> -> memref<4x32xi32, #tpu.memory_space<hbm>>
      tpu.wait_dma2 semaphore(%run_scoped3A : memref<!tpu.dma_semaphore, #tpu.memory_space<semaphore_mem>>) src(%dma_wait3A_86 : memref<4x32xi32, #tpu.memory_space<hbm>>) dst(%arg5 : memref<4x32xi32, #tpu.memory_space<vmem>>)
      tpu.yield
    }) : () -> ()
    %dma_start3A = arith.constant 0 : i32
    %dma_start3A_1 = arith.constant 0 : i32
    %dma_start3A_2 = tpu.memref_slice %arg5[%dma_start3A, %dma_start3A_1] : memref<4x32xi32, #tpu.memory_space<vmem>> -> memref<1x32xi32, #tpu.memory_space<vmem>>
    %dma_start3A_3 = tpu.memref_squeeze %dma_start3A_2 : memref<1x32xi32, #tpu.memory_space<vmem>> -> memref<32xi32, #tpu.memory_space<vmem>>
    %dma_start3A_4 = arith.constant 0 : i32
    %dma_start3A_5 = arith.constant 0 : i32
    %dma_start3A_6 = tpu.memref_slice %arg2[%dma_start3A_4, %dma_start3A_5] : memref<6144x1024xf32, #tpu.memory_space<hbm>> -> memref<6144x1024xf32, #tpu.memory_space<hbm>>
    tpu.enqueue_indirect_dma source(%dma_start3A_6 : memref<6144x1024xf32, #tpu.memory_space<hbm>>) target(%arg6 : memref<32x1024xf32, #tpu.memory_space<vmem>>) offsets(%dma_start3A_3 : memref<32xi32, #tpu.memory_space<vmem>>) semaphore(%arg8 : memref<!tpu.dma_semaphore, #tpu.memory_space<semaphore_mem>>)
    %dma_start3A_7 = arith.constant 1 : i32
    %dma_start3A_8 = arith.constant 0 : i32
    %dma_start3A_9 = tpu.memref_slice %arg5[%dma_start3A_7, %dma_start3A_8] : memref<4x32xi32, #tpu.memory_space<vmem>> -> memref<1x32xi32, #tpu.memory_space<vmem>>
    %dma_start3A_10 = tpu.memref_squeeze %dma_start3A_9 : memref<1x32xi32, #tpu.memory_space<vmem>> -> memref<32xi32, #tpu.memory_space<vmem>>
    %dma_start3A_11 = arith.constant 0 : i32
    %dma_start3A_12 = arith.constant 0 : i32
    %dma_start3A_13 = tpu.memref_slice %arg2[%dma_start3A_11, %dma_start3A_12] : memref<6144x1024xf32, #tpu.memory_space<hbm>> -> memref<6144x1024xf32, #tpu.memory_space<hbm>>
    tpu.enqueue_indirect_dma source(%dma_start3A_13 : memref<6144x1024xf32, #tpu.memory_space<hbm>>) target(%arg7 : memref<32x1024xf32, #tpu.memory_space<vmem>>) offsets(%dma_start3A_10 : memref<32xi32, #tpu.memory_space<vmem>>) semaphore(%arg9 : memref<!tpu.dma_semaphore, #tpu.memory_space<semaphore_mem>>)
    %dma_wait3A = arith.constant 0 : i32
    %dma_wait3A_14 = arith.constant 0 : i32
    %dma_wait3A_15 = tpu.memref_slice %arg5[%dma_wait3A, %dma_wait3A_14] : memref<4x32xi32, #tpu.memory_space<vmem>> -> memref<1x32xi32, #tpu.memory_space<vmem>>
    %dma_wait3A_16 = tpu.memref_squeeze %dma_wait3A_15 : memref<1x32xi32, #tpu.memory_space<vmem>> -> memref<32xi32, #tpu.memory_space<vmem>>
    %dma_wait3A_17 = arith.constant 0 : i32
    %dma_wait3A_18 = arith.constant 0 : i32
    %dma_wait3A_19 = tpu.memref_slice %arg2[%dma_wait3A_17, %dma_wait3A_18] : memref<6144x1024xf32, #tpu.memory_space<hbm>> -> memref<6144x1024xf32, #tpu.memory_space<hbm>>
    tpu.wait_indirect_dma semaphore(%arg8 : memref<!tpu.dma_semaphore, #tpu.memory_space<semaphore_mem>>) src(%dma_wait3A_19 : memref<6144x1024xf32, #tpu.memory_space<hbm>>) dst(%arg6 : memref<32x1024xf32, #tpu.memory_space<vmem>>)
    %mul3A_20 = arith.constant 128 : i32
    %mul3A_21 = arith.muli %add3A, %mul3A_20 : i32
    %add3A_22 = arith.constant 0 : i32
    %add3A_23 = arith.addi %mul3A_21, %add3A_22 : i32
    "tpu.region"() ({
      %run_scoped3A = tpu.sem_alloc : memref<!tpu.dma_semaphore, #tpu.memory_space<semaphore_mem>>
      %dma_start3A_71 = arith.constant 0 : i32
      %dma_start3A_72 = tpu.memref_slice %arg4[%add3A_23, %dma_start3A_71] : memref<4096x1024xf32, #tpu.memory_space<hbm>> -> memref<32x1024xf32, #tpu.memory_space<hbm>>
      %dma_start3A_73 = arith.constant 0 : i32
      %dma_start3A_74 = tpu.memref_slice %arg4[%add3A_23, %dma_start3A_73] : memref<4096x1024xf32, #tpu.memory_space<hbm>> -> memref<32x1024xf32, #tpu.memory_space<hbm>>
      tpu.enqueue_dma source(%arg6 : memref<32x1024xf32, #tpu.memory_space<vmem>>) target(%dma_start3A_74 : memref<32x1024xf32, #tpu.memory_space<hbm>>) target_semaphore(%run_scoped3A : memref<!tpu.dma_semaphore, #tpu.memory_space<semaphore_mem>>)
      %dma_wait3A_75 = arith.constant 0 : i32
      %dma_wait3A_76 = tpu.memref_slice %arg4[%add3A_23, %dma_wait3A_75] : memref<4096x1024xf32, #tpu.memory_space<hbm>> -> memref<32x1024xf32, #tpu.memory_space<hbm>>
      %dma_wait3A_77 = arith.constant 0 : i32
      %dma_wait3A_78 = tpu.memref_slice %arg4[%add3A_23, %dma_wait3A_77] : memref<4096x1024xf32, #tpu.memory_space<hbm>> -> memref<32x1024xf32, #tpu.memory_space<hbm>>
      tpu.wait_dma2 semaphore(%run_scoped3A : memref<!tpu.dma_semaphore, #tpu.memory_space<semaphore_mem>>) src(%arg6 : memref<32x1024xf32, #tpu.memory_space<vmem>>) dst(%dma_wait3A_78 : memref<32x1024xf32, #tpu.memory_space<hbm>>)
      tpu.yield
    }) : () -> ()
    %dma_start3A_24 = arith.constant 2 : i32
    %dma_start3A_25 = arith.constant 0 : i32
    %dma_start3A_26 = tpu.memref_slice %arg5[%dma_start3A_24, %dma_start3A_25] : memref<4x32xi32, #tpu.memory_space<vmem>> -> memref<1x32xi32, #tpu.memory_space<vmem>>
    %dma_start3A_27 = tpu.memref_squeeze %dma_start3A_26 : memref<1x32xi32, #tpu.memory_space<vmem>> -> memref<32xi32, #tpu.memory_space<vmem>>
    %dma_start3A_28 = arith.constant 0 : i32
    %dma_start3A_29 = arith.constant 0 : i32
    %dma_start3A_30 = tpu.memref_slice %arg2[%dma_start3A_28, %dma_start3A_29] : memref<6144x1024xf32, #tpu.memory_space<hbm>> -> memref<6144x1024xf32, #tpu.memory_space<hbm>>
    tpu.enqueue_indirect_dma source(%dma_start3A_30 : memref<6144x1024xf32, #tpu.memory_space<hbm>>) target(%arg6 : memref<32x1024xf32, #tpu.memory_space<vmem>>) offsets(%dma_start3A_27 : memref<32xi32, #tpu.memory_space<vmem>>) semaphore(%arg8 : memref<!tpu.dma_semaphore, #tpu.memory_space<semaphore_mem>>)
    %dma_wait3A_31 = arith.constant 1 : i32
    %dma_wait3A_32 = arith.constant 0 : i32
    %dma_wait3A_33 = tpu.memref_slice %arg5[%dma_wait3A_31, %dma_wait3A_32] : memref<4x32xi32, #tpu.memory_space<vmem>> -> memref<1x32xi32, #tpu.memory_space<vmem>>
    %dma_wait3A_34 = tpu.memref_squeeze %dma_wait3A_33 : memref<1x32xi32, #tpu.memory_space<vmem>> -> memref<32xi32, #tpu.memory_space<vmem>>
    %dma_wait3A_35 = arith.constant 0 : i32
    %dma_wait3A_36 = arith.constant 0 : i32
    %dma_wait3A_37 = tpu.memref_slice %arg2[%dma_wait3A_35, %dma_wait3A_36] : memref<6144x1024xf32, #tpu.memory_space<hbm>> -> memref<6144x1024xf32, #tpu.memory_space<hbm>>
    tpu.wait_indirect_dma semaphore(%arg9 : memref<!tpu.dma_semaphore, #tpu.memory_space<semaphore_mem>>) src(%dma_wait3A_37 : memref<6144x1024xf32, #tpu.memory_space<hbm>>) dst(%arg7 : memref<32x1024xf32, #tpu.memory_space<vmem>>)
    %mul3A_38 = arith.constant 128 : i32
    %mul3A_39 = arith.muli %add3A, %mul3A_38 : i32
    %add3A_40 = arith.constant 32 : i32
    %add3A_41 = arith.addi %mul3A_39, %add3A_40 : i32
    "tpu.region"() ({
      %run_scoped3A = tpu.sem_alloc : memref<!tpu.dma_semaphore, #tpu.memory_space<semaphore_mem>>
      %dma_start3A_71 = arith.constant 0 : i32
      %dma_start3A_72 = tpu.memref_slice %arg4[%add3A_41, %dma_start3A_71] : memref<4096x1024xf32, #tpu.memory_space<hbm>> -> memref<32x1024xf32, #tpu.memory_space<hbm>>
      %dma_start3A_73 = arith.constant 0 : i32
      %dma_start3A_74 = tpu.memref_slice %arg4[%add3A_41, %dma_start3A_73] : memref<4096x1024xf32, #tpu.memory_space<hbm>> -> memref<32x1024xf32, #tpu.memory_space<hbm>>
      tpu.enqueue_dma source(%arg7 : memref<32x1024xf32, #tpu.memory_space<vmem>>) target(%dma_start3A_74 : memref<32x1024xf32, #tpu.memory_space<hbm>>) target_semaphore(%run_scoped3A : memref<!tpu.dma_semaphore, #tpu.memory_space<semaphore_mem>>)
      %dma_wait3A_75 = arith.constant 0 : i32
      %dma_wait3A_76 = tpu.memref_slice %arg4[%add3A_41, %dma_wait3A_75] : memref<4096x1024xf32, #tpu.memory_space<hbm>> -> memref<32x1024xf32, #tpu.memory_space<hbm>>
      %dma_wait3A_77 = arith.constant 0 : i32
      %dma_wait3A_78 = tpu.memref_slice %arg4[%add3A_41, %dma_wait3A_77] : memref<4096x1024xf32, #tpu.memory_space<hbm>> -> memref<32x1024xf32, #tpu.memory_space<hbm>>
      tpu.wait_dma2 semaphore(%run_scoped3A : memref<!tpu.dma_semaphore, #tpu.memory_space<semaphore_mem>>) src(%arg7 : memref<32x1024xf32, #tpu.memory_space<vmem>>) dst(%dma_wait3A_78 : memref<32x1024xf32, #tpu.memory_space<hbm>>)
      tpu.yield
    }) : () -> ()
    %dma_start3A_42 = arith.constant 3 : i32
    %dma_start3A_43 = arith.constant 0 : i32
    %dma_start3A_44 = tpu.memref_slice %arg5[%dma_start3A_42, %dma_start3A_43] : memref<4x32xi32, #tpu.memory_space<vmem>> -> memref<1x32xi32, #tpu.memory_space<vmem>>
    %dma_start3A_45 = tpu.memref_squeeze %dma_start3A_44 : memref<1x32xi32, #tpu.memory_space<vmem>> -> memref<32xi32, #tpu.memory_space<vmem>>
    %dma_start3A_46 = arith.constant 0 : i32
    %dma_start3A_47 = arith.constant 0 : i32
    %dma_start3A_48 = tpu.memref_slice %arg2[%dma_start3A_46, %dma_start3A_47] : memref<6144x1024xf32, #tpu.memory_space<hbm>> -> memref<6144x1024xf32, #tpu.memory_space<hbm>>
    tpu.enqueue_indirect_dma source(%dma_start3A_48 : memref<6144x1024xf32, #tpu.memory_space<hbm>>) target(%arg7 : memref<32x1024xf32, #tpu.memory_space<vmem>>) offsets(%dma_start3A_45 : memref<32xi32, #tpu.memory_space<vmem>>) semaphore(%arg9 : memref<!tpu.dma_semaphore, #tpu.memory_space<semaphore_mem>>)
    %dma_wait3A_49 = arith.constant 2 : i32
    %dma_wait3A_50 = arith.constant 0 : i32
    %dma_wait3A_51 = tpu.memref_slice %arg5[%dma_wait3A_49, %dma_wait3A_50] : memref<4x32xi32, #tpu.memory_space<vmem>> -> memref<1x32xi32, #tpu.memory_space<vmem>>
    %dma_wait3A_52 = tpu.memref_squeeze %dma_wait3A_51 : memref<1x32xi32, #tpu.memory_space<vmem>> -> memref<32xi32, #tpu.memory_space<vmem>>
    %dma_wait3A_53 = arith.constant 0 : i32
    %dma_wait3A_54 = arith.constant 0 : i32
    %dma_wait3A_55 = tpu.memref_slice %arg2[%dma_wait3A_53, %dma_wait3A_54] : memref<6144x1024xf32, #tpu.memory_space<hbm>> -> memref<6144x1024xf32, #tpu.memory_space<hbm>>
    tpu.wait_indirect_dma semaphore(%arg8 : memref<!tpu.dma_semaphore, #tpu.memory_space<semaphore_mem>>) src(%dma_wait3A_55 : memref<6144x1024xf32, #tpu.memory_space<hbm>>) dst(%arg6 : memref<32x1024xf32, #tpu.memory_space<vmem>>)
    %mul3A_56 = arith.constant 128 : i32
    %mul3A_57 = arith.muli %add3A, %mul3A_56 : i32
    %add3A_58 = arith.constant 64 : i32
    %add3A_59 = arith.addi %mul3A_57, %add3A_58 : i32
    "tpu.region"() ({
      %run_scoped3A = tpu.sem_alloc : memref<!tpu.dma_semaphore, #tpu.memory_space<semaphore_mem>>
      %dma_start3A_71 = arith.constant 0 : i32
      %dma_start3A_72 = tpu.memref_slice %arg4[%add3A_59, %dma_start3A_71] : memref<4096x1024xf32, #tpu.memory_space<hbm>> -> memref<32x1024xf32, #tpu.memory_space<hbm>>
      %dma_start3A_73 = arith.constant 0 : i32
      %dma_start3A_74 = tpu.memref_slice %arg4[%add3A_59, %dma_start3A_73] : memref<4096x1024xf32, #tpu.memory_space<hbm>> -> memref<32x1024xf32, #tpu.memory_space<hbm>>
      tpu.enqueue_dma source(%arg6 : memref<32x1024xf32, #tpu.memory_space<vmem>>) target(%dma_start3A_74 : memref<32x1024xf32, #tpu.memory_space<hbm>>) target_semaphore(%run_scoped3A : memref<!tpu.dma_semaphore, #tpu.memory_space<semaphore_mem>>)
      %dma_wait3A_75 = arith.constant 0 : i32
      %dma_wait3A_76 = tpu.memref_slice %arg4[%add3A_59, %dma_wait3A_75] : memref<4096x1024xf32, #tpu.memory_space<hbm>> -> memref<32x1024xf32, #tpu.memory_space<hbm>>
      %dma_wait3A_77 = arith.constant 0 : i32
      %dma_wait3A_78 = tpu.memref_slice %arg4[%add3A_59, %dma_wait3A_77] : memref<4096x1024xf32, #tpu.memory_space<hbm>> -> memref<32x1024xf32, #tpu.memory_space<hbm>>
      tpu.wait_dma2 semaphore(%run_scoped3A : memref<!tpu.dma_semaphore, #tpu.memory_space<semaphore_mem>>) src(%arg6 : memref<32x1024xf32, #tpu.memory_space<vmem>>) dst(%dma_wait3A_78 : memref<32x1024xf32, #tpu.memory_space<hbm>>)
      tpu.yield
    }) : () -> ()
    %dma_wait3A_60 = arith.constant 3 : i32
    %dma_wait3A_61 = arith.constant 0 : i32
    %dma_wait3A_62 = tpu.memref_slice %arg5[%dma_wait3A_60, %dma_wait3A_61] : memref<4x32xi32, #tpu.memory_space<vmem>> -> memref<1x32xi32, #tpu.memory_space<vmem>>
    %dma_wait3A_63 = tpu.memref_squeeze %dma_wait3A_62 : memref<1x32xi32, #tpu.memory_space<vmem>> -> memref<32xi32, #tpu.memory_space<vmem>>
    %dma_wait3A_64 = arith.constant 0 : i32
    %dma_wait3A_65 = arith.constant 0 : i32
    %dma_wait3A_66 = tpu.memref_slice %arg2[%dma_wait3A_64, %dma_wait3A_65] : memref<6144x1024xf32, #tpu.memory_space<hbm>> -> memref<6144x1024xf32, #tpu.memory_space<hbm>>
    tpu.wait_indirect_dma semaphore(%arg9 : memref<!tpu.dma_semaphore, #tpu.memory_space<semaphore_mem>>) src(%dma_wait3A_66 : memref<6144x1024xf32, #tpu.memory_space<hbm>>) dst(%arg7 : memref<32x1024xf32, #tpu.memory_space<vmem>>)
    %mul3A_67 = arith.constant 128 : i32
    %mul3A_68 = arith.muli %add3A, %mul3A_67 : i32
    %add3A_69 = arith.constant 96 : i32
    %add3A_70 = arith.addi %mul3A_68, %add3A_69 : i32
    "tpu.region"() ({
      %run_scoped3A = tpu.sem_alloc : memref<!tpu.dma_semaphore, #tpu.memory_space<semaphore_mem>>
      %dma_start3A_71 = arith.constant 0 : i32
      %dma_start3A_72 = tpu.memref_slice %arg4[%add3A_70, %dma_start3A_71] : memref<4096x1024xf32, #tpu.memory_space<hbm>> -> memref<32x1024xf32, #tpu.memory_space<hbm>>
      %dma_start3A_73 = arith.constant 0 : i32
      %dma_start3A_74 = tpu.memref_slice %arg4[%add3A_70, %dma_start3A_73] : memref<4096x1024xf32, #tpu.memory_space<hbm>> -> memref<32x1024xf32, #tpu.memory_space<hbm>>
      tpu.enqueue_dma source(%arg7 : memref<32x1024xf32, #tpu.memory_space<vmem>>) target(%dma_start3A_74 : memref<32x1024xf32, #tpu.memory_space<hbm>>) target_semaphore(%run_scoped3A : memref<!tpu.dma_semaphore, #tpu.memory_space<semaphore_mem>>)
      %dma_wait3A_75 = arith.constant 0 : i32
      %dma_wait3A_76 = tpu.memref_slice %arg4[%add3A_70, %dma_wait3A_75] : memref<4096x1024xf32, #tpu.memory_space<hbm>> -> memref<32x1024xf32, #tpu.memory_space<hbm>>
      %dma_wait3A_77 = arith.constant 0 : i32
      %dma_wait3A_78 = tpu.memref_slice %arg4[%add3A_70, %dma_wait3A_77] : memref<4096x1024xf32, #tpu.memory_space<hbm>> -> memref<32x1024xf32, #tpu.memory_space<hbm>>
      tpu.wait_dma2 semaphore(%run_scoped3A : memref<!tpu.dma_semaphore, #tpu.memory_space<semaphore_mem>>) src(%arg7 : memref<32x1024xf32, #tpu.memory_space<vmem>>) dst(%dma_wait3A_78 : memref<32x1024xf32, #tpu.memory_space<hbm>>)
      tpu.yield
    }) : () -> ()
    return
  }
}

module attributes {stable_mosaic.version = 14 : i64} {
  func.func @_ffn_kernel(%arg0: i32, %arg1: memref<4x128xi32, #tpu.memory_space<smem>>, %arg2: memref<256x1024xf32, #tpu.memory_space<vmem>>, %arg3: memref<8x4096x1024xf32, #tpu.memory_space<any>>, %arg4: memref<1x1x4096xf32, #tpu.memory_space<vmem>>, %arg5: memref<8x1024x4096xf32, #tpu.memory_space<any>>, %arg6: memref<1x1x1024xf32, #tpu.memory_space<vmem>>, %arg7: memref<256x1024xf32, #tpu.memory_space<vmem>>, %arg8: memref<2048x1024xf32, #tpu.memory_space<vmem>>, %arg9: memref<512x4096xf32, #tpu.memory_space<vmem>>, %arg10: memref<2x4096x1024xbf16, #tpu.memory_space<vmem>>, %arg11: memref<2x1024x4096xbf16, #tpu.memory_space<vmem>>, %arg12: memref<!tpu.dma_semaphore, #tpu.memory_space<semaphore_mem>>, %arg13: memref<!tpu.dma_semaphore, #tpu.memory_space<semaphore_mem>>) attributes {dimension_semantics = [#tpu.dimension_semantics<arbitrary>], iteration_bounds = array<i64: 24>, scalar_prefetch = 1 : i64, scratch_operands = 6 : i64, tpu.core_type = #tpu.core_type<tc>, window_params = [{transform_indices = @transform_0, window_bounds = array<i64: 256, 1024>}, {}, {transform_indices = @transform_2, window_bounds = array<i64: 1, 1, 4096>}, {}, {transform_indices = @transform_4, window_bounds = array<i64: 1, 1, 1024>}, {transform_indices = @transform_5, window_bounds = array<i64: 256, 1024>}]} {
    %get3A = arith.constant 0 : index
    %get3A_0 = arith.constant 120 : index
    %get3A_1 = memref.load %arg1[%get3A, %get3A_0] : memref<4x128xi32, #tpu.memory_space<smem>>
    %lt3A = arith.cmpi slt, %arg0, %get3A_1 : i32
    %convert_element_type3A = arith.extui %lt3A : i1 to i32
    %cond3A = arith.constant 0 : i32
    %cond3A_2 = arith.cmpi ne, %convert_element_type3A, %cond3A : i32
    scf.if %cond3A_2 {
      %get3A_3 = arith.constant 0 : index
      %get3A_4 = arith.index_cast %arg0 : i32 to index
      %get3A_5 = memref.load %arg1[%get3A_3, %get3A_4] : memref<4x128xi32, #tpu.memory_space<smem>>
      %get3A_6 = arith.constant 1 : index
      %get3A_7 = arith.index_cast %arg0 : i32 to index
      %get3A_8 = memref.load %arg1[%get3A_6, %get3A_7] : memref<4x128xi32, #tpu.memory_space<smem>>
      %get3A_9 = arith.constant 2 : index
      %get3A_10 = arith.index_cast %arg0 : i32 to index
      %get3A_11 = memref.load %arg1[%get3A_9, %get3A_10] : memref<4x128xi32, #tpu.memory_space<smem>>
      %get3A_12 = arith.constant 3 : index
      %get3A_13 = arith.index_cast %arg0 : i32 to index
      %get3A_14 = memref.load %arg1[%get3A_12, %get3A_13] : memref<4x128xi32, #tpu.memory_space<smem>>
      %sub3A = arith.constant 1 : i32
      %sub3A_15 = arith.subi %sub3A, %get3A_11 : i32
      %ne3A = arith.cmpi ne, %get3A_8, %get3A_5 : i32
      %add3A = arith.constant 1 : i32
      %add3A_16 = arith.addi %arg0, %add3A : i32
      %get3A_17 = arith.constant 0 : index
      %get3A_18 = arith.index_cast %add3A_16 : i32 to index
      %get3A_19 = memref.load %arg1[%get3A_17, %get3A_18] : memref<4x128xi32, #tpu.memory_space<smem>>
      %ne3A_20 = arith.cmpi ne, %get3A_19, %get3A_5 : i32
      %and3A = arith.andi %ne3A_20, %ne3A : i1
      %eq3A = arith.constant 0 : i32
      %eq3A_21 = arith.cmpi eq, %arg0, %eq3A : i32
      %convert_element_type3A_22 = arith.extui %eq3A_21 : i1 to i32
      %cond3A_23 = arith.constant 0 : i32
      %cond3A_24 = arith.cmpi ne, %convert_element_type3A_22, %cond3A_23 : i32
      scf.if %cond3A_24 {
        %dma_start3A = arith.constant 0 : i32
        %dma_start3A_93 = arith.constant 0 : i32
        %dma_start3A_94 = tpu.memref_slice %arg3[%get3A_5, %dma_start3A, %dma_start3A_93] : memref<8x4096x1024xf32, #tpu.memory_space<any>> -> memref<1x2048x1024xf32, #tpu.memory_space<any>>
        %dma_start3A_95 = tpu.memref_squeeze %dma_start3A_94 : memref<1x2048x1024xf32, #tpu.memory_space<any>> -> memref<2048x1024xf32, #tpu.memory_space<any>>
        tpu.enqueue_dma source(%dma_start3A_95 : memref<2048x1024xf32, #tpu.memory_space<any>>) target(%arg8 : memref<2048x1024xf32, #tpu.memory_space<vmem>>) target_semaphore(%arg12 : memref<!tpu.dma_semaphore, #tpu.memory_space<semaphore_mem>>)
        %dma_start3A_96 = arith.constant 0 : i32
        %dma_start3A_97 = arith.constant 0 : i32
        %dma_start3A_98 = tpu.memref_slice %arg5[%get3A_5, %dma_start3A_96, %dma_start3A_97] : memref<8x1024x4096xf32, #tpu.memory_space<any>> -> memref<1x512x4096xf32, #tpu.memory_space<any>>
        %dma_start3A_99 = tpu.memref_squeeze %dma_start3A_98 : memref<1x512x4096xf32, #tpu.memory_space<any>> -> memref<512x4096xf32, #tpu.memory_space<any>>
        tpu.enqueue_dma source(%dma_start3A_99 : memref<512x4096xf32, #tpu.memory_space<any>>) target(%arg9 : memref<512x4096xf32, #tpu.memory_space<vmem>>) target_semaphore(%arg13 : memref<!tpu.dma_semaphore, #tpu.memory_space<semaphore_mem>>)
        %dma_wait3A = arith.constant 0 : i32
        %dma_wait3A_100 = arith.constant 0 : i32
        %dma_wait3A_101 = tpu.memref_slice %arg3[%get3A_5, %dma_wait3A, %dma_wait3A_100] : memref<8x4096x1024xf32, #tpu.memory_space<any>> -> memref<1x2048x1024xf32, #tpu.memory_space<any>>
        %dma_wait3A_102 = tpu.memref_squeeze %dma_wait3A_101 : memref<1x2048x1024xf32, #tpu.memory_space<any>> -> memref<2048x1024xf32, #tpu.memory_space<any>>
        tpu.wait_dma2 semaphore(%arg12 : memref<!tpu.dma_semaphore, #tpu.memory_space<semaphore_mem>>) src(%dma_wait3A_102 : memref<2048x1024xf32, #tpu.memory_space<any>>) dst(%arg8 : memref<2048x1024xf32, #tpu.memory_space<vmem>>)
        %get3A_103 = arith.constant 0 : index
        %get3A_104 = arith.constant 0 : index
        %get3A_105 = vector.load %arg8[%get3A_103, %get3A_104] : memref<2048x1024xf32, #tpu.memory_space<vmem>>, vector<2048x1024xf32>
        %convert_element_type3A_106 = arith.truncf %get3A_105 : vector<2048x1024xf32> to vector<2048x1024xbf16>
        %swap3A_107 = arith.index_cast %get3A_11 : i32 to index
        %swap3A_108 = arith.constant 0 : index
        %swap3A_109 = arith.constant 0 : index
        %swap3A_110 = vector.load %arg10[%swap3A_107, %swap3A_108, %swap3A_109] : memref<2x4096x1024xbf16, #tpu.memory_space<vmem>>, vector<1x2048x1024xbf16>
        %swap3A_111 = vector.shape_cast %swap3A_110 : vector<1x2048x1024xbf16> to vector<2048x1024xbf16>
        %swap3A_112 = vector.shape_cast %convert_element_type3A_106 : vector<2048x1024xbf16> to vector<1x2048x1024xbf16>
        tpu.vector_store %arg10[%swap3A_107, %swap3A_108, %swap3A_109], %swap3A_112 {strides = array<i32>} : memref<2x4096x1024xbf16, #tpu.memory_space<vmem>>, vector<1x2048x1024xbf16>,
        %dma_start3A_113 = arith.constant 2048 : i32
        %dma_start3A_114 = arith.constant 0 : i32
        %dma_start3A_115 = tpu.memref_slice %arg3[%get3A_5, %dma_start3A_113, %dma_start3A_114] : memref<8x4096x1024xf32, #tpu.memory_space<any>> -> memref<1x2048x1024xf32, #tpu.memory_space<any>>
        %dma_start3A_116 = tpu.memref_squeeze %dma_start3A_115 : memref<1x2048x1024xf32, #tpu.memory_space<any>> -> memref<2048x1024xf32, #tpu.memory_space<any>>
        tpu.enqueue_dma source(%dma_start3A_116 : memref<2048x1024xf32, #tpu.memory_space<any>>) target(%arg8 : memref<2048x1024xf32, #tpu.memory_space<vmem>>) target_semaphore(%arg12 : memref<!tpu.dma_semaphore, #tpu.memory_space<semaphore_mem>>)
        %dma_wait3A_117 = arith.constant 0 : i32
        %dma_wait3A_118 = arith.constant 0 : i32
        %dma_wait3A_119 = tpu.memref_slice %arg5[%get3A_5, %dma_wait3A_117, %dma_wait3A_118] : memref<8x1024x4096xf32, #tpu.memory_space<any>> -> memref<1x512x4096xf32, #tpu.memory_space<any>>
        %dma_wait3A_120 = tpu.memref_squeeze %dma_wait3A_119 : memref<1x512x4096xf32, #tpu.memory_space<any>> -> memref<512x4096xf32, #tpu.memory_space<any>>
        tpu.wait_dma2 semaphore(%arg13 : memref<!tpu.dma_semaphore, #tpu.memory_space<semaphore_mem>>) src(%dma_wait3A_120 : memref<512x4096xf32, #tpu.memory_space<any>>) dst(%arg9 : memref<512x4096xf32, #tpu.memory_space<vmem>>)
        %get3A_121 = arith.constant 0 : index
        %get3A_122 = arith.constant 0 : index
        %get3A_123 = vector.load %arg9[%get3A_121, %get3A_122] : memref<512x4096xf32, #tpu.memory_space<vmem>>, vector<512x4096xf32>
        %convert_element_type3A_124 = arith.truncf %get3A_123 : vector<512x4096xf32> to vector<512x4096xbf16>
        %swap3A_125 = arith.index_cast %get3A_11 : i32 to index
        %swap3A_126 = arith.constant 0 : index
        %swap3A_127 = arith.constant 0 : index
        %swap3A_128 = vector.load %arg11[%swap3A_125, %swap3A_126, %swap3A_127] : memref<2x1024x4096xbf16, #tpu.memory_space<vmem>>, vector<1x512x4096xbf16>
        %swap3A_129 = vector.shape_cast %swap3A_128 : vector<1x512x4096xbf16> to vector<512x4096xbf16>
        %swap3A_130 = vector.shape_cast %convert_element_type3A_124 : vector<512x4096xbf16> to vector<1x512x4096xbf16>
        tpu.vector_store %arg11[%swap3A_125, %swap3A_126, %swap3A_127], %swap3A_130 {strides = array<i32>} : memref<2x1024x4096xbf16, #tpu.memory_space<vmem>>, vector<1x512x4096xbf16>,
        %dma_start3A_131 = arith.constant 512 : i32
        %dma_start3A_132 = arith.constant 0 : i32
        %dma_start3A_133 = tpu.memref_slice %arg5[%get3A_5, %dma_start3A_131, %dma_start3A_132] : memref<8x1024x4096xf32, #tpu.memory_space<any>> -> memref<1x512x4096xf32, #tpu.memory_space<any>>
        %dma_start3A_134 = tpu.memref_squeeze %dma_start3A_133 : memref<1x512x4096xf32, #tpu.memory_space<any>> -> memref<512x4096xf32, #tpu.memory_space<any>>
        tpu.enqueue_dma source(%dma_start3A_134 : memref<512x4096xf32, #tpu.memory_space<any>>) target(%arg9 : memref<512x4096xf32, #tpu.memory_space<vmem>>) target_semaphore(%arg13 : memref<!tpu.dma_semaphore, #tpu.memory_space<semaphore_mem>>)
        %dma_wait3A_135 = arith.constant 2048 : i32
        %dma_wait3A_136 = arith.constant 0 : i32
        %dma_wait3A_137 = tpu.memref_slice %arg3[%get3A_5, %dma_wait3A_135, %dma_wait3A_136] : memref<8x4096x1024xf32, #tpu.memory_space<any>> -> memref<1x2048x1024xf32, #tpu.memory_space<any>>
        %dma_wait3A_138 = tpu.memref_squeeze %dma_wait3A_137 : memref<1x2048x1024xf32, #tpu.memory_space<any>> -> memref<2048x1024xf32, #tpu.memory_space<any>>
        tpu.wait_dma2 semaphore(%arg12 : memref<!tpu.dma_semaphore, #tpu.memory_space<semaphore_mem>>) src(%dma_wait3A_138 : memref<2048x1024xf32, #tpu.memory_space<any>>) dst(%arg8 : memref<2048x1024xf32, #tpu.memory_space<vmem>>)
        %get3A_139 = arith.constant 0 : index
        %get3A_140 = arith.constant 0 : index
        %get3A_141 = vector.load %arg8[%get3A_139, %get3A_140] : memref<2048x1024xf32, #tpu.memory_space<vmem>>, vector<2048x1024xf32>
        %convert_element_type3A_142 = arith.truncf %get3A_141 : vector<2048x1024xf32> to vector<2048x1024xbf16>
        %swap3A_143 = arith.index_cast %get3A_11 : i32 to index
        %swap3A_144 = arith.constant 2048 : index
        %swap3A_145 = arith.constant 0 : index
        %swap3A_146 = vector.load %arg10[%swap3A_143, %swap3A_144, %swap3A_145] : memref<2x4096x1024xbf16, #tpu.memory_space<vmem>>, vector<1x2048x1024xbf16>
        %swap3A_147 = vector.shape_cast %swap3A_146 : vector<1x2048x1024xbf16> to vector<2048x1024xbf16>
        %swap3A_148 = vector.shape_cast %convert_element_type3A_142 : vector<2048x1024xbf16> to vector<1x2048x1024xbf16>
        tpu.vector_store %arg10[%swap3A_143, %swap3A_144, %swap3A_145], %swap3A_148 {strides = array<i32>} : memref<2x4096x1024xbf16, #tpu.memory_space<vmem>>, vector<1x2048x1024xbf16>,
        %dma_wait3A_149 = arith.constant 512 : i32
        %dma_wait3A_150 = arith.constant 0 : i32
        %dma_wait3A_151 = tpu.memref_slice %arg5[%get3A_5, %dma_wait3A_149, %dma_wait3A_150] : memref<8x1024x4096xf32, #tpu.memory_space<any>> -> memref<1x512x4096xf32, #tpu.memory_space<any>>
        %dma_wait3A_152 = tpu.memref_squeeze %dma_wait3A_151 : memref<1x512x4096xf32, #tpu.memory_space<any>> -> memref<512x4096xf32, #tpu.memory_space<any>>
        tpu.wait_dma2 semaphore(%arg13 : memref<!tpu.dma_semaphore, #tpu.memory_space<semaphore_mem>>) src(%dma_wait3A_152 : memref<512x4096xf32, #tpu.memory_space<any>>) dst(%arg9 : memref<512x4096xf32, #tpu.memory_space<vmem>>)
        %get3A_153 = arith.constant 0 : index
        %get3A_154 = arith.constant 0 : index
        %get3A_155 = vector.load %arg9[%get3A_153, %get3A_154] : memref<512x4096xf32, #tpu.memory_space<vmem>>, vector<512x4096xf32>
        %convert_element_type3A_156 = arith.truncf %get3A_155 : vector<512x4096xf32> to vector<512x4096xbf16>
        %swap3A_157 = arith.index_cast %get3A_11 : i32 to index
        %swap3A_158 = arith.constant 512 : index
        %swap3A_159 = arith.constant 0 : index
        %swap3A_160 = vector.load %arg11[%swap3A_157, %swap3A_158, %swap3A_159] : memref<2x1024x4096xbf16, #tpu.memory_space<vmem>>, vector<1x512x4096xbf16>
        %swap3A_161 = vector.shape_cast %swap3A_160 : vector<1x512x4096xbf16> to vector<512x4096xbf16>
        %swap3A_162 = vector.shape_cast %convert_element_type3A_156 : vector<512x4096xbf16> to vector<1x512x4096xbf16>
        tpu.vector_store %arg11[%swap3A_157, %swap3A_158, %swap3A_159], %swap3A_162 {strides = array<i32>} : memref<2x1024x4096xbf16, #tpu.memory_space<vmem>>, vector<1x512x4096xbf16>,
      } else {
      }
      %get3A_25 = arith.constant 0 : index
      %get3A_26 = arith.constant 0 : index
      %get3A_27 = vector.load %arg2[%get3A_25, %get3A_26] : memref<256x1024xf32, #tpu.memory_space<vmem>>, vector<256x1024xf32>
      %convert_element_type3A_28 = arith.truncf %get3A_27 : vector<256x1024xf32> to vector<256x1024xbf16>
      %get3A_29 = arith.index_cast %get3A_11 : i32 to index
      %get3A_30 = arith.constant 0 : index
      %get3A_31 = arith.constant 0 : index
      %get3A_32 = vector.load %arg10[%get3A_29, %get3A_30, %get3A_31] : memref<2x4096x1024xbf16, #tpu.memory_space<vmem>>, vector<1x4096x1024xbf16>
      %get3A_33 = vector.shape_cast %get3A_32 : vector<1x4096x1024xbf16> to vector<4096x1024xbf16>
      %dot_general3A = arith.constant dense<0.000000e+00> : vector<256x4096xf32>
      %dot_general3A_34 = tpu.matmul %convert_element_type3A_28, %get3A_33, %dot_general3A {dimension_numbers = #tpu.dot_dimension_numbers<[1], [1], [0], [0], [0, 0, 1, 0], [], []>, transpose_lhs_hint = false} : vector<256x1024xbf16>, vector<4096x1024xbf16>, vector<256x4096xf32> -> vector<256x4096xf32>
      %get3A_35 = arith.constant 0 : index
      %get3A_36 = arith.constant 0 : index
      %get3A_37 = arith.constant 0 : index
      %get3A_38 = vector.load %arg4[%get3A_35, %get3A_36, %get3A_37] : memref<1x1x4096xf32, #tpu.memory_space<vmem>>, vector<1x1x4096xf32>
      %get3A_39 = vector.shape_cast %get3A_38 : vector<1x1x4096xf32> to vector<1x4096xf32>
      %add3A_40 = vector.broadcast %get3A_39 : vector<1x4096xf32> to vector<256x4096xf32>
      %add3A_41 = arith.addf %dot_general3A_34, %add3A_40 : vector<256x4096xf32>
      %mul3A = arith.constant 5.000000e-01 : f32
      %mul3A_42 = vector.broadcast %mul3A : f32 to vector<256x4096xf32>
      %mul3A_43 = arith.mulf %mul3A_42, %add3A_41 : vector<256x4096xf32>
      %mul3A_44 = arith.constant 0.707106769 : f32
      %mul3A_45 = vector.broadcast %mul3A_44 : f32 to vector<256x4096xf32>
      %mul3A_46 = arith.mulf %add3A_41, %mul3A_45 : vector<256x4096xf32>
      %erf3A = math.erf %mul3A_46 : vector<256x4096xf32>
      %add3A_47 = arith.constant 1.000000e+00 : f32
      %add3A_48 = vector.broadcast %add3A_47 : f32 to vector<256x4096xf32>
      %add3A_49 = arith.addf %add3A_48, %erf3A : vector<256x4096xf32>
      %mul3A_50 = arith.mulf %mul3A_43, %add3A_49 : vector<256x4096xf32>
      %convert_element_type3A_51 = arith.truncf %mul3A_50 : vector<256x4096xf32> to vector<256x4096xbf16>
      %get3A_52 = arith.index_cast %get3A_11 : i32 to index
      %get3A_53 = arith.constant 0 : index
      %get3A_54 = arith.constant 0 : index
      %get3A_55 = vector.load %arg11[%get3A_52, %get3A_53, %get3A_54] : memref<2x1024x4096xbf16, #tpu.memory_space<vmem>>, vector<1x1024x4096xbf16>
      %get3A_56 = vector.shape_cast %get3A_55 : vector<1x1024x4096xbf16> to vector<1024x4096xbf16>
      %dot_general3A_57 = arith.constant dense<0.000000e+00> : vector<256x1024xf32>
      %dot_general3A_58 = tpu.matmul %convert_element_type3A_51, %get3A_56, %dot_general3A_57 {dimension_numbers = #tpu.dot_dimension_numbers<[1], [1], [0], [0], [0, 0, 1, 0], [], []>, transpose_lhs_hint = false} : vector<256x4096xbf16>, vector<1024x4096xbf16>, vector<256x1024xf32> -> vector<256x1024xf32>
      %get3A_59 = arith.constant 0 : index
      %get3A_60 = arith.constant 0 : index
      %get3A_61 = arith.constant 0 : index
      %get3A_62 = vector.load %arg6[%get3A_59, %get3A_60, %get3A_61] : memref<1x1x1024xf32, #tpu.memory_space<vmem>>, vector<1x1x1024xf32>
      %get3A_63 = vector.shape_cast %get3A_62 : vector<1x1x1024xf32> to vector<1x1024xf32>
      %add3A_64 = vector.broadcast %get3A_63 : vector<1x1024xf32> to vector<256x1024xf32>
      %add3A_65 = arith.addf %dot_general3A_58, %add3A_64 : vector<256x1024xf32>
      %swap3A = arith.constant 0 : index
      %swap3A_66 = arith.constant 0 : index
      %swap3A_67 = vector.load %arg7[%swap3A, %swap3A_66] : memref<256x1024xf32, #tpu.memory_space<vmem>>, vector<256x1024xf32>
      tpu.vector_store %arg7[%swap3A, %swap3A_66], %add3A_65 {strides = array<i32>} : memref<256x1024xf32, #tpu.memory_space<vmem>>, vector<256x1024xf32>,
      %eq3A_68 = arith.constant 0 : i32
      %eq3A_69 = arith.cmpi eq, %get3A_14, %eq3A_68 : i32
      %and3A_70 = arith.andi %ne3A, %eq3A_69 : i1
      %convert_element_type3A_71 = arith.extui %and3A_70 : i1 to i32
      %cond3A_72 = arith.constant 0 : i32
      %cond3A_73 = arith.cmpi ne, %convert_element_type3A_71, %cond3A_72 : i32
      scf.if %cond3A_73 {
        %dma_start3A = arith.constant 0 : i32
        %dma_start3A_93 = arith.constant 0 : i32
        %dma_start3A_94 = tpu.memref_slice %arg3[%get3A_8, %dma_start3A, %dma_start3A_93] : memref<8x4096x1024xf32, #tpu.memory_space<any>> -> memref<1x2048x1024xf32, #tpu.memory_space<any>>
        %dma_start3A_95 = tpu.memref_squeeze %dma_start3A_94 : memref<1x2048x1024xf32, #tpu.memory_space<any>> -> memref<2048x1024xf32, #tpu.memory_space<any>>
        tpu.enqueue_dma source(%dma_start3A_95 : memref<2048x1024xf32, #tpu.memory_space<any>>) target(%arg8 : memref<2048x1024xf32, #tpu.memory_space<vmem>>) target_semaphore(%arg12 : memref<!tpu.dma_semaphore, #tpu.memory_space<semaphore_mem>>)
        %dma_start3A_96 = arith.constant 0 : i32
        %dma_start3A_97 = arith.constant 0 : i32
        %dma_start3A_98 = tpu.memref_slice %arg5[%get3A_8, %dma_start3A_96, %dma_start3A_97] : memref<8x1024x4096xf32, #tpu.memory_space<any>> -> memref<1x512x4096xf32, #tpu.memory_space<any>>
        %dma_start3A_99 = tpu.memref_squeeze %dma_start3A_98 : memref<1x512x4096xf32, #tpu.memory_space<any>> -> memref<512x4096xf32, #tpu.memory_space<any>>
        tpu.enqueue_dma source(%dma_start3A_99 : memref<512x4096xf32, #tpu.memory_space<any>>) target(%arg9 : memref<512x4096xf32, #tpu.memory_space<vmem>>) target_semaphore(%arg13 : memref<!tpu.dma_semaphore, #tpu.memory_space<semaphore_mem>>)
      } else {
      }
      %eq3A_74 = arith.constant 1 : i32
      %eq3A_75 = arith.cmpi eq, %get3A_14, %eq3A_74 : i32
      %lt3A_76 = arith.constant 1 : i32
      %lt3A_77 = arith.cmpi slt, %get3A_14, %lt3A_76 : i32
      %and3A_78 = arith.andi %and3A, %lt3A_77 : i1
      %or3A = arith.ori %eq3A_75, %and3A_78 : i1
      %and3A_79 = arith.andi %ne3A, %or3A : i1
      %convert_element_type3A_80 = arith.extui %and3A_79 : i1 to i32
      %cond3A_81 = arith.constant 0 : i32
      %cond3A_82 = arith.cmpi ne, %convert_element_type3A_80, %cond3A_81 : i32
      scf.if %cond3A_82 {
        %dma_wait3A = arith.constant 0 : i32
        %dma_wait3A_93 = arith.constant 0 : i32
        %dma_wait3A_94 = tpu.memref_slice %arg3[%get3A_8, %dma_wait3A, %dma_wait3A_93] : memref<8x4096x1024xf32, #tpu.memory_space<any>> -> memref<1x2048x1024xf32, #tpu.memory_space<any>>
        %dma_wait3A_95 = tpu.memref_squeeze %dma_wait3A_94 : memref<1x2048x1024xf32, #tpu.memory_space<any>> -> memref<2048x1024xf32, #tpu.memory_space<any>>
        tpu.wait_dma2 semaphore(%arg12 : memref<!tpu.dma_semaphore, #tpu.memory_space<semaphore_mem>>) src(%dma_wait3A_95 : memref<2048x1024xf32, #tpu.memory_space<any>>) dst(%arg8 : memref<2048x1024xf32, #tpu.memory_space<vmem>>)
        %get3A_96 = arith.constant 0 : index
        %get3A_97 = arith.constant 0 : index
        %get3A_98 = vector.load %arg8[%get3A_96, %get3A_97] : memref<2048x1024xf32, #tpu.memory_space<vmem>>, vector<2048x1024xf32>
        %convert_element_type3A_99 = arith.truncf %get3A_98 : vector<2048x1024xf32> to vector<2048x1024xbf16>
        %swap3A_100 = arith.index_cast %sub3A_15 : i32 to index
        %swap3A_101 = arith.constant 0 : index
        %swap3A_102 = arith.constant 0 : index
        %swap3A_103 = vector.load %arg10[%swap3A_100, %swap3A_101, %swap3A_102] : memref<2x4096x1024xbf16, #tpu.memory_space<vmem>>, vector<1x2048x1024xbf16>
        %swap3A_104 = vector.shape_cast %swap3A_103 : vector<1x2048x1024xbf16> to vector<2048x1024xbf16>
        %swap3A_105 = vector.shape_cast %convert_element_type3A_99 : vector<2048x1024xbf16> to vector<1x2048x1024xbf16>
        tpu.vector_store %arg10[%swap3A_100, %swap3A_101, %swap3A_102], %swap3A_105 {strides = array<i32>} : memref<2x4096x1024xbf16, #tpu.memory_space<vmem>>, vector<1x2048x1024xbf16>,
        %dma_start3A = arith.constant 2048 : i32
        %dma_start3A_106 = arith.constant 0 : i32
        %dma_start3A_107 = tpu.memref_slice %arg3[%get3A_8, %dma_start3A, %dma_start3A_106] : memref<8x4096x1024xf32, #tpu.memory_space<any>> -> memref<1x2048x1024xf32, #tpu.memory_space<any>>
        %dma_start3A_108 = tpu.memref_squeeze %dma_start3A_107 : memref<1x2048x1024xf32, #tpu.memory_space<any>> -> memref<2048x1024xf32, #tpu.memory_space<any>>
        tpu.enqueue_dma source(%dma_start3A_108 : memref<2048x1024xf32, #tpu.memory_space<any>>) target(%arg8 : memref<2048x1024xf32, #tpu.memory_space<vmem>>) target_semaphore(%arg12 : memref<!tpu.dma_semaphore, #tpu.memory_space<semaphore_mem>>)
        %dma_wait3A_109 = arith.constant 0 : i32
        %dma_wait3A_110 = arith.constant 0 : i32
        %dma_wait3A_111 = tpu.memref_slice %arg5[%get3A_8, %dma_wait3A_109, %dma_wait3A_110] : memref<8x1024x4096xf32, #tpu.memory_space<any>> -> memref<1x512x4096xf32, #tpu.memory_space<any>>
        %dma_wait3A_112 = tpu.memref_squeeze %dma_wait3A_111 : memref<1x512x4096xf32, #tpu.memory_space<any>> -> memref<512x4096xf32, #tpu.memory_space<any>>
        tpu.wait_dma2 semaphore(%arg13 : memref<!tpu.dma_semaphore, #tpu.memory_space<semaphore_mem>>) src(%dma_wait3A_112 : memref<512x4096xf32, #tpu.memory_space<any>>) dst(%arg9 : memref<512x4096xf32, #tpu.memory_space<vmem>>)
        %get3A_113 = arith.constant 0 : index
        %get3A_114 = arith.constant 0 : index
        %get3A_115 = vector.load %arg9[%get3A_113, %get3A_114] : memref<512x4096xf32, #tpu.memory_space<vmem>>, vector<512x4096xf32>
        %convert_element_type3A_116 = arith.truncf %get3A_115 : vector<512x4096xf32> to vector<512x4096xbf16>
        %swap3A_117 = arith.index_cast %sub3A_15 : i32 to index
        %swap3A_118 = arith.constant 0 : index
        %swap3A_119 = arith.constant 0 : index
        %swap3A_120 = vector.load %arg11[%swap3A_117, %swap3A_118, %swap3A_119] : memref<2x1024x4096xbf16, #tpu.memory_space<vmem>>, vector<1x512x4096xbf16>
        %swap3A_121 = vector.shape_cast %swap3A_120 : vector<1x512x4096xbf16> to vector<512x4096xbf16>
        %swap3A_122 = vector.shape_cast %convert_element_type3A_116 : vector<512x4096xbf16> to vector<1x512x4096xbf16>
        tpu.vector_store %arg11[%swap3A_117, %swap3A_118, %swap3A_119], %swap3A_122 {strides = array<i32>} : memref<2x1024x4096xbf16, #tpu.memory_space<vmem>>, vector<1x512x4096xbf16>,
        %dma_start3A_123 = arith.constant 512 : i32
        %dma_start3A_124 = arith.constant 0 : i32
        %dma_start3A_125 = tpu.memref_slice %arg5[%get3A_8, %dma_start3A_123, %dma_start3A_124] : memref<8x1024x4096xf32, #tpu.memory_space<any>> -> memref<1x512x4096xf32, #tpu.memory_space<any>>
        %dma_start3A_126 = tpu.memref_squeeze %dma_start3A_125 : memref<1x512x4096xf32, #tpu.memory_space<any>> -> memref<512x4096xf32, #tpu.memory_space<any>>
        tpu.enqueue_dma source(%dma_start3A_126 : memref<512x4096xf32, #tpu.memory_space<any>>) target(%arg9 : memref<512x4096xf32, #tpu.memory_space<vmem>>) target_semaphore(%arg13 : memref<!tpu.dma_semaphore, #tpu.memory_space<semaphore_mem>>)
      } else {
      }
      %eq3A_83 = arith.constant 2 : i32
      %eq3A_84 = arith.cmpi eq, %get3A_14, %eq3A_83 : i32
      %lt3A_85 = arith.constant 2 : i32
      %lt3A_86 = arith.cmpi slt, %get3A_14, %lt3A_85 : i32
      %and3A_87 = arith.andi %and3A, %lt3A_86 : i1
      %or3A_88 = arith.ori %eq3A_84, %and3A_87 : i1
      %and3A_89 = arith.andi %ne3A, %or3A_88 : i1
      %convert_element_type3A_90 = arith.extui %and3A_89 : i1 to i32
      %cond3A_91 = arith.constant 0 : i32
      %cond3A_92 = arith.cmpi ne, %convert_element_type3A_90, %cond3A_91 : i32
      scf.if %cond3A_92 {
        %dma_wait3A = arith.constant 2048 : i32
        %dma_wait3A_93 = arith.constant 0 : i32
        %dma_wait3A_94 = tpu.memref_slice %arg3[%get3A_8, %dma_wait3A, %dma_wait3A_93] : memref<8x4096x1024xf32, #tpu.memory_space<any>> -> memref<1x2048x1024xf32, #tpu.memory_space<any>>
        %dma_wait3A_95 = tpu.memref_squeeze %dma_wait3A_94 : memref<1x2048x1024xf32, #tpu.memory_space<any>> -> memref<2048x1024xf32, #tpu.memory_space<any>>
        tpu.wait_dma2 semaphore(%arg12 : memref<!tpu.dma_semaphore, #tpu.memory_space<semaphore_mem>>) src(%dma_wait3A_95 : memref<2048x1024xf32, #tpu.memory_space<any>>) dst(%arg8 : memref<2048x1024xf32, #tpu.memory_space<vmem>>)
        %get3A_96 = arith.constant 0 : index
        %get3A_97 = arith.constant 0 : index
        %get3A_98 = vector.load %arg8[%get3A_96, %get3A_97] : memref<2048x1024xf32, #tpu.memory_space<vmem>>, vector<2048x1024xf32>
        %convert_element_type3A_99 = arith.truncf %get3A_98 : vector<2048x1024xf32> to vector<2048x1024xbf16>
        %swap3A_100 = arith.index_cast %sub3A_15 : i32 to index
        %swap3A_101 = arith.constant 2048 : index
        %swap3A_102 = arith.constant 0 : index
        %swap3A_103 = vector.load %arg10[%swap3A_100, %swap3A_101, %swap3A_102] : memref<2x4096x1024xbf16, #tpu.memory_space<vmem>>, vector<1x2048x1024xbf16>
        %swap3A_104 = vector.shape_cast %swap3A_103 : vector<1x2048x1024xbf16> to vector<2048x1024xbf16>
        %swap3A_105 = vector.shape_cast %convert_element_type3A_99 : vector<2048x1024xbf16> to vector<1x2048x1024xbf16>
        tpu.vector_store %arg10[%swap3A_100, %swap3A_101, %swap3A_102], %swap3A_105 {strides = array<i32>} : memref<2x4096x1024xbf16, #tpu.memory_space<vmem>>, vector<1x2048x1024xbf16>,
        %dma_wait3A_106 = arith.constant 512 : i32
        %dma_wait3A_107 = arith.constant 0 : i32
        %dma_wait3A_108 = tpu.memref_slice %arg5[%get3A_8, %dma_wait3A_106, %dma_wait3A_107] : memref<8x1024x4096xf32, #tpu.memory_space<any>> -> memref<1x512x4096xf32, #tpu.memory_space<any>>
        %dma_wait3A_109 = tpu.memref_squeeze %dma_wait3A_108 : memref<1x512x4096xf32, #tpu.memory_space<any>> -> memref<512x4096xf32, #tpu.memory_space<any>>
        tpu.wait_dma2 semaphore(%arg13 : memref<!tpu.dma_semaphore, #tpu.memory_space<semaphore_mem>>) src(%dma_wait3A_109 : memref<512x4096xf32, #tpu.memory_space<any>>) dst(%arg9 : memref<512x4096xf32, #tpu.memory_space<vmem>>)
        %get3A_110 = arith.constant 0 : index
        %get3A_111 = arith.constant 0 : index
        %get3A_112 = vector.load %arg9[%get3A_110, %get3A_111] : memref<512x4096xf32, #tpu.memory_space<vmem>>, vector<512x4096xf32>
        %convert_element_type3A_113 = arith.truncf %get3A_112 : vector<512x4096xf32> to vector<512x4096xbf16>
        %swap3A_114 = arith.index_cast %sub3A_15 : i32 to index
        %swap3A_115 = arith.constant 512 : index
        %swap3A_116 = arith.constant 0 : index
        %swap3A_117 = vector.load %arg11[%swap3A_114, %swap3A_115, %swap3A_116] : memref<2x1024x4096xbf16, #tpu.memory_space<vmem>>, vector<1x512x4096xbf16>
        %swap3A_118 = vector.shape_cast %swap3A_117 : vector<1x512x4096xbf16> to vector<512x4096xbf16>
        %swap3A_119 = vector.shape_cast %convert_element_type3A_113 : vector<512x4096xbf16> to vector<1x512x4096xbf16>
        tpu.vector_store %arg11[%swap3A_114, %swap3A_115, %swap3A_116], %swap3A_119 {strides = array<i32>} : memref<2x1024x4096xbf16, #tpu.memory_space<vmem>>, vector<1x512x4096xbf16>,
      } else {
      }
    } else {
    }
    return
  }
  func.func @transform_0(%arg0: i32, %arg1: memref<4x128xi32, #tpu.memory_space<smem>>) -> (i32, i32) {
    %c0_i32 = arith.constant 0 : i32
    %c0_i32_0 = arith.constant 0 : i32
    return %arg0, %c0_i32 : i32, i32
  }
  func.func @transform_2(%arg0: i32, %arg1: memref<4x128xi32, #tpu.memory_space<smem>>) -> (i32, i32, i32) {
    %get3A = arith.constant 0 : index
    %get3A_0 = arith.index_cast %arg0 : i32 to index
    %get3A_1 = memref.load %arg1[%get3A, %get3A_0] : memref<4x128xi32, #tpu.memory_space<smem>>
    %c0_i32 = arith.constant 0 : i32
    %c0_i32_2 = arith.constant 0 : i32
    %c0_i32_3 = arith.constant 0 : i32
    return %get3A_1, %c0_i32, %c0_i32_2 : i32, i32, i32
  }
  func.func @transform_4(%arg0: i32, %arg1: memref<4x128xi32, #tpu.memory_space<smem>>) -> (i32, i32, i32) {
    %get3A = arith.constant 0 : index
    %get3A_0 = arith.index_cast %arg0 : i32 to index
    %get3A_1 = memref.load %arg1[%get3A, %get3A_0] : memref<4x128xi32, #tpu.memory_space<smem>>
    %c0_i32 = arith.constant 0 : i32
    %c0_i32_2 = arith.constant 0 : i32
    %c0_i32_3 = arith.constant 0 : i32
    return %get3A_1, %c0_i32, %c0_i32_2 : i32, i32, i32
  }
  func.func @transform_5(%arg0: i32, %arg1: memref<4x128xi32, #tpu.memory_space<smem>>) -> (i32, i32) {
    %c0_i32 = arith.constant 0 : i32
    %c0_i32_0 = arith.constant 0 : i32
    return %arg0, %c0_i32 : i32, i32
  }
}

module attributes {stable_mosaic.version = 14 : i64} {
  func.func @_gate_kernel(%arg0: memref<8x1024xf32, #tpu.memory_space<vmem>>, %arg1: memref<4096x1024xf32, #tpu.memory_space<vmem>>, %arg2: memref<8x1xf32, #tpu.memory_space<vmem>>, %arg3: memref<32x128xi32, #tpu.memory_space<vmem>>, %arg4: memref<4x128xi32, #tpu.memory_space<vmem>>, %arg5: memref<8x1xf32, #tpu.memory_space<vmem>>, %arg6: memref<8x1xf32, #tpu.memory_space<vmem>>, %arg7: memref<1x1xf32, #tpu.memory_space<vmem>>) attributes {dimension_semantics = [], scalar_prefetch = 0 : i64, scratch_operands = 0 : i64, tpu.core_type = #tpu.core_type<tc>} {
    %get3A = arith.constant 0 : index
    %get3A_0 = arith.constant 0 : index
    %get3A_1 = vector.load %arg0[%get3A, %get3A_0] : memref<8x1024xf32, #tpu.memory_space<vmem>>, vector<8x1024xf32>
    %get3A_2 = arith.constant 0 : index
    %get3A_3 = arith.constant 0 : index
    %get3A_4 = vector.load %arg1[%get3A_2, %get3A_3] : memref<4096x1024xf32, #tpu.memory_space<vmem>>, vector<4096x1024xf32>
    %dot_general3A = arith.constant dense<0.000000e+00> : vector<8x4096xf32>
    %dot_general3A_5 = tpu.matmul %get3A_1, %get3A_4, %dot_general3A {dimension_numbers = #tpu.dot_dimension_numbers<[1], [1], [0], [0], [0, 0, 1, 0], [], []>, transpose_lhs_hint = false} : vector<8x1024xf32>, vector<4096x1024xf32>, vector<8x4096xf32> -> vector<8x4096xf32>
    %get3A_6 = arith.constant 0 : index
    %get3A_7 = arith.constant 0 : index
    %get3A_8 = vector.load %arg2[%get3A_6, %get3A_7] : memref<8x1xf32, #tpu.memory_space<vmem>>, vector<8x1xf32>
    %add3A = vector.broadcast %get3A_8 : vector<8x1xf32> to vector<8x4096xf32>
    %add3A_9 = arith.addf %dot_general3A_5, %add3A : vector<8x4096xf32>
    %reduce_max3A = arith.constant dense<0xFF800000> : vector<4096xf32>
    %reduce_max3A_10 = vector.multi_reduction <maximumf>, %add3A_9, %reduce_max3A [0] : vector<8x4096xf32> to vector<4096xf32>
    %broadcast_in_dim3A = vector.shape_cast %reduce_max3A_10 : vector<4096xf32> to vector<1x4096xf32>
    %sub3A = vector.broadcast %broadcast_in_dim3A : vector<1x4096xf32> to vector<8x4096xf32>
    %sub3A_11 = arith.subf %add3A_9, %sub3A : vector<8x4096xf32>
    %exp3A = math.exp %sub3A_11 : vector<8x4096xf32>
    %reduce_sum3A = arith.constant dense<0.000000e+00> : vector<4096xf32>
    %reduce_sum3A_12 = vector.multi_reduction <add>, %exp3A, %reduce_sum3A [0] : vector<8x4096xf32> to vector<4096xf32>
    %broadcast_in_dim3A_13 = vector.shape_cast %reduce_sum3A_12 : vector<4096xf32> to vector<1x4096xf32>
    %div3A = vector.broadcast %broadcast_in_dim3A_13 : vector<1x4096xf32> to vector<8x4096xf32>
    %div3A_14 = arith.divf %exp3A, %div3A : vector<8x4096xf32>
    %reduce_max3A_15 = arith.constant dense<0xFF800000> : vector<4096xf32>
    %reduce_max3A_16 = vector.multi_reduction <maximumf>, %div3A_14, %reduce_max3A_15 [0] : vector<8x4096xf32> to vector<4096xf32>
    %broadcast_in_dim3A_17 = vector.shape_cast %reduce_max3A_16 : vector<4096xf32> to vector<1x4096xf32>
    %iota3A = tpu.iota {dimensions = array<i32: 0>} : vector<8x4096xi32>
    %ge3A = vector.broadcast %broadcast_in_dim3A_17 : vector<1x4096xf32> to vector<8x4096xf32>
    %ge3A_18 = arith.cmpf oge, %div3A_14, %ge3A : vector<8x4096xf32>
    %jit3A = arith.constant 8 : i32
    %broadcast_in_dim3A_19 = vector.broadcast %jit3A : i32 to vector<8x4096xi32>
    %select_n3A = arith.select %ge3A_18, %iota3A, %broadcast_in_dim3A_19 : vector<8x4096xi1>, vector<8x4096xi32>
    %reduce_min3A = arith.constant dense<2147483647> : vector<4096xi32>
    %reduce_min3A_20 = vector.multi_reduction <minsi>, %select_n3A, %reduce_min3A [0] : vector<8x4096xi32> to vector<4096xi32>
    %broadcast_in_dim3A_21 = vector.shape_cast %reduce_min3A_20 : vector<4096xi32> to vector<1x4096xi32>
    %eq3A = vector.broadcast %broadcast_in_dim3A_21 : vector<1x4096xi32> to vector<8x4096xi32>
    %eq3A_22 = arith.cmpi eq, %iota3A, %eq3A : vector<8x4096xi32>
    %convert_element_type3A = arith.extui %eq3A_22 : vector<8x4096xi1> to vector<8x4096xi32>
    %convert_element_type3A_23 = arith.sitofp %convert_element_type3A : vector<8x4096xi32> to vector<8x4096xf32>
    %reduce_sum3A_24 = arith.constant dense<0.000000e+00> : vector<8xf32>
    %reduce_sum3A_25 = vector.multi_reduction <add>, %convert_element_type3A_23, %reduce_sum3A_24 [1] : vector<8x4096xf32> to vector<8xf32>
    %broadcast_in_dim3A_26 = vector.shape_cast %reduce_sum3A_25 : vector<8xf32> to vector<8x1xf32>
    %reduce_sum3A_27 = arith.constant dense<0.000000e+00> : vector<8xf32>
    %reduce_sum3A_28 = vector.multi_reduction <add>, %div3A_14, %reduce_sum3A_27 [1] : vector<8x4096xf32> to vector<8xf32>
    %broadcast_in_dim3A_29 = vector.shape_cast %reduce_sum3A_28 : vector<8xf32> to vector<8x1xf32>
    %div3A_30 = arith.constant 4.096000e+03 : f32
    %div3A_31 = vector.broadcast %div3A_30 : f32 to vector<8x1xf32>
    %div3A_32 = arith.divf %broadcast_in_dim3A_29, %div3A_31 : vector<8x1xf32>
    %div3A_33 = arith.constant 4.096000e+03 : f32
    %div3A_34 = vector.broadcast %div3A_33 : f32 to vector<8x1xf32>
    %div3A_35 = arith.divf %broadcast_in_dim3A_26, %div3A_34 : vector<8x1xf32>
    %swap3A = arith.constant 0 : index
    %swap3A_36 = arith.constant 0 : index
    %swap3A_37 = vector.load %arg5[%swap3A, %swap3A_36] : memref<8x1xf32, #tpu.memory_space<vmem>>, vector<8x1xf32>
    tpu.vector_store %arg5[%swap3A, %swap3A_36], %div3A_32 {strides = array<i32>} : memref<8x1xf32, #tpu.memory_space<vmem>>, vector<8x1xf32>,
    %swap3A_38 = arith.constant 0 : index
    %swap3A_39 = arith.constant 0 : index
    %swap3A_40 = vector.load %arg6[%swap3A_38, %swap3A_39] : memref<8x1xf32, #tpu.memory_space<vmem>>, vector<8x1xf32>
    tpu.vector_store %arg6[%swap3A_38, %swap3A_39], %div3A_35 {strides = array<i32>} : memref<8x1xf32, #tpu.memory_space<vmem>>, vector<8x1xf32>,
    %mul3A = arith.mulf %div3A_32, %div3A_35 : vector<8x1xf32>
    %reduce_sum3A_41 = vector.shape_cast %mul3A : vector<8x1xf32> to vector<1x8x1xf32>
    %reduce_sum3A_42 = arith.constant dense<0.000000e+00> : vector<1xf32>
    %reduce_sum3A_43 = vector.multi_reduction <add>, %reduce_sum3A_41, %reduce_sum3A_42 [1, 2] : vector<1x8x1xf32> to vector<1xf32>
    %reduce_sum3A_44 = vector.shape_cast %reduce_sum3A_43 : vector<1xf32> to vector<1x1x1xf32>
    %reduce_sum3A_45 = vector.extract %reduce_sum3A_44[0, 0, 0] : f32 from vector<1x1x1xf32>
    %mul3A_46 = arith.constant 8.000000e-02 : f32
    %mul3A_47 = arith.mulf %reduce_sum3A_45, %mul3A_46 : f32
    %reshape3A = vector.broadcast %mul3A_47 : f32 to vector<1x1xf32>
    %swap3A_48 = arith.constant 0 : index
    %swap3A_49 = arith.constant 0 : index
    %swap3A_50 = vector.load %arg7[%swap3A_48, %swap3A_49] : memref<1x1xf32, #tpu.memory_space<vmem>>, vector<1x1xf32>
    tpu.vector_store %arg7[%swap3A_48, %swap3A_49], %reshape3A {strides = array<i32>} : memref<1x1xf32, #tpu.memory_space<vmem>>, vector<1x1xf32>,
    %convert_element_type3A_51 = arith.fptosi %broadcast_in_dim3A_26 : vector<8x1xf32> to vector<8x1xi32>
    %add3A_52 = arith.constant 255 : i32
    %add3A_53 = vector.broadcast %add3A_52 : i32 to vector<8x1xi32>
    %add3A_54 = arith.addi %convert_element_type3A_51, %add3A_53 : vector<8x1xi32>
    %jit3A_55 = arith.constant 256 : i32
    %div3A_56 = vector.broadcast %jit3A_55 : i32 to vector<8x1xi32>
    %div3A_57 = arith.divsi %add3A_54, %div3A_56 : vector<8x1xi32>
    %sign3A = arith.constant 0 : i32
    %sign3A_58 = vector.broadcast %sign3A : i32 to vector<8x1xi32>
    %sign3A_59 = arith.cmpi sgt, %add3A_54, %sign3A_58 : vector<8x1xi32>
    %sign3A_60 = arith.extui %sign3A_59 : vector<8x1xi1> to vector<8x1xi32>
    %sign3A_61 = arith.constant 0 : i32
    %sign3A_62 = vector.broadcast %sign3A_61 : i32 to vector<8x1xi32>
    %sign3A_63 = arith.cmpi slt, %add3A_54, %sign3A_62 : vector<8x1xi32>
    %sign3A_64 = arith.extui %sign3A_63 : vector<8x1xi1> to vector<8x1xi32>
    %sign3A_65 = arith.subi %sign3A_60, %sign3A_64 : vector<8x1xi32>
    %sign3A_66 = arith.constant 0 : i32
    %sign3A_67 = arith.cmpi sgt, %jit3A_55, %sign3A_66 : i32
    %sign3A_68 = arith.extui %sign3A_67 : i1 to i32
    %sign3A_69 = arith.constant 0 : i32
    %sign3A_70 = arith.cmpi slt, %jit3A_55, %sign3A_69 : i32
    %sign3A_71 = arith.extui %sign3A_70 : i1 to i32
    %sign3A_72 = arith.subi %sign3A_68, %sign3A_71 : i32
    %ne3A = vector.broadcast %sign3A_72 : i32 to vector<8x1xi32>
    %ne3A_73 = arith.cmpi ne, %sign3A_65, %ne3A : vector<8x1xi32>
    %rem3A = vector.broadcast %jit3A_55 : i32 to vector<8x1xi32>
    %rem3A_74 = arith.remsi %add3A_54, %rem3A : vector<8x1xi32>
    %ne3A_75 = arith.constant 0 : i32
    %ne3A_76 = vector.broadcast %ne3A_75 : i32 to vector<8x1xi32>
    %ne3A_77 = arith.cmpi ne, %rem3A_74, %ne3A_76 : vector<8x1xi32>
    %and3A = arith.andi %ne3A_73, %ne3A_77 : vector<8x1xi1>
    %sub3A_78 = arith.constant 1 : i32
    %sub3A_79 = vector.broadcast %sub3A_78 : i32 to vector<8x1xi32>
    %sub3A_80 = arith.subi %div3A_57, %sub3A_79 : vector<8x1xi32>
    %select_n3A_81 = arith.select %and3A, %sub3A_80, %div3A_57 : vector<8x1xi1>, vector<8x1xi32>
    %iota3A_82 = tpu.iota {dimensions = array<i32: 0>} : vector<8x8xi32>
    %iota3A_83 = tpu.iota {dimensions = array<i32: 1>} : vector<8x8xi32>
    %lt3A = arith.cmpi slt, %iota3A_83, %iota3A_82 : vector<8x8xi32>
    %convert_element_type3A_84 = arith.extui %lt3A : vector<8x8xi1> to vector<8x8xi32>
    %convert_element_type3A_85 = arith.sitofp %convert_element_type3A_84 : vector<8x8xi32> to vector<8x8xf32>
    %convert_element_type3A_86 = arith.sitofp %select_n3A_81 : vector<8x1xi32> to vector<8x1xf32>
    %dot_general3A_87 = arith.constant dense<0.000000e+00> : vector<8x1xf32>
    %dot_general3A_88 = tpu.matmul %convert_element_type3A_85, %convert_element_type3A_86, %dot_general3A_87 {dimension_numbers = #tpu.dot_dimension_numbers<[1], [0], [0], [1], [0, 0, 1, 1], [], []>, transpose_lhs_hint = false} : vector<8x8xf32>, vector<8x1xf32>, vector<8x1xf32> -> vector<8x1xf32>
    %convert_element_type3A_89 = arith.fptosi %dot_general3A_88 : vector<8x1xf32> to vector<8x1xi32>
    %broadcast_in_dim3A_90 = vector.shape_cast %convert_element_type3A_89 : vector<8x1xi32> to vector<8x1xi32>
    %broadcast_in_dim3A_91 = vector.broadcast %broadcast_in_dim3A_90 : vector<8x1xi32> to vector<8x128xi32>
    %iota3A_92 = tpu.iota {dimensions = array<i32: 1>} : vector<8x128xi32>
    %le3A = arith.cmpi sle, %broadcast_in_dim3A_91, %iota3A_92 : vector<8x128xi32>
    %convert_element_type3A_93 = arith.extui %le3A : vector<8x128xi1> to vector<8x128xi32>
    %reduce_sum3A_94 = arith.constant dense<0> : vector<128xi32>
    %reduce_sum3A_95 = vector.multi_reduction <add>, %convert_element_type3A_93, %reduce_sum3A_94 [0] : vector<8x128xi32> to vector<128xi32>
    %broadcast_in_dim3A_96 = vector.shape_cast %reduce_sum3A_95 : vector<128xi32> to vector<1x128xi32>
    %sub3A_97 = arith.constant 1 : i32
    %sub3A_98 = vector.broadcast %sub3A_97 : i32 to vector<1x128xi32>
    %sub3A_99 = arith.subi %broadcast_in_dim3A_96, %sub3A_98 : vector<1x128xi32>
    %reduce_sum3A_100 = vector.shape_cast %select_n3A_81 : vector<8x1xi32> to vector<1x8x1xi32>
    %reduce_sum3A_101 = arith.constant dense<0> : vector<1xi32>
    %reduce_sum3A_102 = vector.multi_reduction <add>, %reduce_sum3A_100, %reduce_sum3A_101 [1, 2] : vector<1x8x1xi32> to vector<1xi32>
    %reduce_sum3A_103 = vector.shape_cast %reduce_sum3A_102 : vector<1xi32> to vector<1x1x1xi32>
    %reduce_sum3A_104 = vector.extract %reduce_sum3A_103[0, 0, 0] : i32 from vector<1x1x1xi32>
    %iota3A_105 = tpu.iota {dimensions = array<i32: 1>} : vector<1x128xi32>
    %eq3A_106 = arith.constant 120 : i32
    %eq3A_107 = vector.broadcast %eq3A_106 : i32 to vector<1x128xi32>
    %eq3A_108 = arith.cmpi eq, %iota3A_105, %eq3A_107 : vector<1x128xi32>
    %broadcast_in_dim3A_109 = vector.broadcast %reduce_sum3A_104 : i32 to vector<1x128xi32>
    %select_n3A_110 = arith.select %eq3A_108, %broadcast_in_dim3A_109, %sub3A_99 : vector<1x128xi1>, vector<1x128xi32>
    %broadcast_in_dim3A_111 = arith.constant 1.000000e+00 : f32
    %broadcast_in_dim3A_112 = vector.broadcast %broadcast_in_dim3A_111 : f32 to vector<8x1xf32>
    %convert_element_type3A_113 = arith.sitofp %select_n3A_81 : vector<8x1xi32> to vector<8x1xf32>
    %dot_general3A_114 = arith.constant dense<0.000000e+00> : vector<8x8xf32>
    %dot_general3A_115 = tpu.matmul %broadcast_in_dim3A_112, %convert_element_type3A_113, %dot_general3A_114 {dimension_numbers = #tpu.dot_dimension_numbers<[1], [1], [0], [0], [0, 0, 1, 0], [], []>, transpose_lhs_hint = false} : vector<8x1xf32>, vector<8x1xf32>, vector<8x8xf32> -> vector<8x8xf32>
    %gt3A = arith.cmpi sgt, %iota3A_83, %iota3A_82 : vector<8x8xi32>
    %gt3A_116 = arith.constant 5.000000e-01 : f32
    %gt3A_117 = vector.broadcast %gt3A_116 : f32 to vector<8x8xf32>
    %gt3A_118 = arith.cmpf ogt, %dot_general3A_115, %gt3A_117 : vector<8x8xf32>
    %and3A_119 = arith.andi %gt3A, %gt3A_118 : vector<8x8xi1>
    %jit3A_120 = arith.constant 8 : i32
    %broadcast_in_dim3A_121 = vector.broadcast %jit3A_120 : i32 to vector<8x8xi32>
    %select_n3A_122 = arith.select %and3A_119, %iota3A_83, %broadcast_in_dim3A_121 : vector<8x8xi1>, vector<8x8xi32>
    %reduce_min3A_123 = arith.constant dense<2147483647> : vector<8xi32>
    %reduce_min3A_124 = vector.multi_reduction <minsi>, %select_n3A_122, %reduce_min3A_123 [1] : vector<8x8xi32> to vector<8xi32>
    %broadcast_in_dim3A_125 = vector.shape_cast %reduce_min3A_124 : vector<8xi32> to vector<8x1xi32>
    %iota3A_126 = tpu.iota {dimensions = array<i32: 0>} : vector<8x1xi32>
    %gt3A_127 = arith.constant 7 : i32
    %gt3A_128 = vector.broadcast %gt3A_127 : i32 to vector<8x1xi32>
    %gt3A_129 = arith.cmpi sgt, %broadcast_in_dim3A_125, %gt3A_128 : vector<8x1xi32>
    %select_n3A_130 = arith.select %gt3A_129, %iota3A_126, %broadcast_in_dim3A_125 : vector<8x1xi1>, vector<8x1xi32>
    %iota3A_131 = tpu.iota {dimensions = array<i32: 0>} : vector<8x128xi32>
    %broadcast_in_dim3A_132 = vector.shape_cast %sub3A_99 : vector<1x128xi32> to vector<1x128xi32>
    %broadcast_in_dim3A_133 = vector.broadcast %broadcast_in_dim3A_132 : vector<1x128xi32> to vector<8x128xi32>
    %eq3A_134 = arith.cmpi eq, %iota3A_131, %broadcast_in_dim3A_133 : vector<8x128xi32>
    %broadcast_in_dim3A_135 = vector.shape_cast %select_n3A_130 : vector<8x1xi32> to vector<8x1xi32>
    %broadcast_in_dim3A_136 = vector.broadcast %broadcast_in_dim3A_135 : vector<8x1xi32> to vector<8x128xi32>
    %jit3A_137 = arith.constant 0 : i32
    %broadcast_in_dim3A_138 = vector.broadcast %jit3A_137 : i32 to vector<8x128xi32>
    %select_n3A_139 = arith.select %eq3A_134, %broadcast_in_dim3A_136, %broadcast_in_dim3A_138 : vector<8x128xi1>, vector<8x128xi32>
    %reduce_sum3A_140 = arith.constant dense<0> : vector<128xi32>
    %reduce_sum3A_141 = vector.multi_reduction <add>, %select_n3A_139, %reduce_sum3A_140 [0] : vector<8x128xi32> to vector<128xi32>
    %broadcast_in_dim3A_142 = vector.shape_cast %reduce_sum3A_141 : vector<128xi32> to vector<1x128xi32>
    %gt3A_143 = arith.constant 0 : i32
    %gt3A_144 = vector.broadcast %gt3A_143 : i32 to vector<8x1xi32>
    %gt3A_145 = arith.cmpi sgt, %select_n3A_81, %gt3A_144 : vector<8x1xi32>
    %broadcast_in_dim3A_146 = vector.shape_cast %gt3A_145 : vector<8x1xi1> to vector<8x1xi1>
    %broadcast_in_dim3A_147 = vector.broadcast %broadcast_in_dim3A_146 : vector<8x1xi1> to vector<8x128xi1>
    %lt3A_148 = arith.cmpi slt, %iota3A_131, %broadcast_in_dim3A_133 : vector<8x128xi32>
    %and3A_149 = arith.andi %lt3A_148, %broadcast_in_dim3A_147 : vector<8x128xi1>
    %convert_element_type3A_150 = arith.extui %and3A_149 : vector<8x128xi1> to vector<8x128xi32>
    %reduce_sum3A_151 = arith.constant dense<0> : vector<128xi32>
    %reduce_sum3A_152 = vector.multi_reduction <add>, %convert_element_type3A_150, %reduce_sum3A_151 [0] : vector<8x128xi32> to vector<128xi32>
    %broadcast_in_dim3A_153 = vector.shape_cast %reduce_sum3A_152 : vector<128xi32> to vector<1x128xi32>
    %and3A_154 = arith.constant 1 : i32
    %and3A_155 = vector.broadcast %and3A_154 : i32 to vector<1x128xi32>
    %and3A_156 = arith.andi %broadcast_in_dim3A_153, %and3A_155 : vector<1x128xi32>
    %broadcast_in_dim3A_157 = vector.shape_cast %convert_element_type3A_89 : vector<8x1xi32> to vector<8x1xi32>
    %broadcast_in_dim3A_158 = vector.broadcast %broadcast_in_dim3A_157 : vector<8x1xi32> to vector<8x128xi32>
    %jit3A_159 = arith.constant 0 : i32
    %broadcast_in_dim3A_160 = vector.broadcast %jit3A_159 : i32 to vector<8x128xi32>
    %select_n3A_161 = arith.select %eq3A_134, %broadcast_in_dim3A_158, %broadcast_in_dim3A_160 : vector<8x128xi1>, vector<8x128xi32>
    %reduce_sum3A_162 = arith.constant dense<0> : vector<128xi32>
    %reduce_sum3A_163 = vector.multi_reduction <add>, %select_n3A_161, %reduce_sum3A_162 [0] : vector<8x128xi32> to vector<128xi32>
    %broadcast_in_dim3A_164 = vector.shape_cast %reduce_sum3A_163 : vector<128xi32> to vector<1x128xi32>
    %sub3A_165 = arith.subi %iota3A_105, %broadcast_in_dim3A_164 : vector<1x128xi32>
    %concatenate3A = tpu.concatenate %select_n3A_110, %broadcast_in_dim3A_142, %and3A_156, %sub3A_165 in 0 : vector<1x128xi32>, vector<1x128xi32>, vector<1x128xi32>, vector<1x128xi32> -> vector<4x128xi32>
    %swap3A_166 = arith.constant 0 : index
    %swap3A_167 = arith.constant 0 : index
    %swap3A_168 = vector.load %arg4[%swap3A_166, %swap3A_167] : memref<4x128xi32, #tpu.memory_space<vmem>>, vector<4x128xi32>
    tpu.vector_store %arg4[%swap3A_166, %swap3A_167], %concatenate3A {strides = array<i32>} : memref<4x128xi32, #tpu.memory_space<vmem>>, vector<4x128xi32>,
    %iota3A_169 = tpu.iota {dimensions = array<i32: 0>} : vector<4096x32xi32>
    %iota3A_170 = tpu.iota {dimensions = array<i32: 1>} : vector<4096x32xi32>
    %jit3A_171 = arith.constant 128 : i32
    %div3A_172 = vector.broadcast %jit3A_171 : i32 to vector<4096x32xi32>
    %div3A_173 = arith.divsi %iota3A_169, %div3A_172 : vector<4096x32xi32>
    %sign3A_174 = arith.constant 0 : i32
    %sign3A_175 = vector.broadcast %sign3A_174 : i32 to vector<4096x32xi32>
    %sign3A_176 = arith.cmpi sgt, %iota3A_169, %sign3A_175 : vector<4096x32xi32>
    %sign3A_177 = arith.extui %sign3A_176 : vector<4096x32xi1> to vector<4096x32xi32>
    %sign3A_178 = arith.constant 0 : i32
    %sign3A_179 = vector.broadcast %sign3A_178 : i32 to vector<4096x32xi32>
    %sign3A_180 = arith.cmpi slt, %iota3A_169, %sign3A_179 : vector<4096x32xi32>
    %sign3A_181 = arith.extui %sign3A_180 : vector<4096x32xi1> to vector<4096x32xi32>
    %sign3A_182 = arith.subi %sign3A_177, %sign3A_181 : vector<4096x32xi32>
    %sign3A_183 = arith.constant 0 : i32
    %sign3A_184 = arith.cmpi sgt, %jit3A_171, %sign3A_183 : i32
    %sign3A_185 = arith.extui %sign3A_184 : i1 to i32
    %sign3A_186 = arith.constant 0 : i32
    %sign3A_187 = arith.cmpi slt, %jit3A_171, %sign3A_186 : i32
    %sign3A_188 = arith.extui %sign3A_187 : i1 to i32
    %sign3A_189 = arith.subi %sign3A_185, %sign3A_188 : i32
    %ne3A_190 = vector.broadcast %sign3A_189 : i32 to vector<4096x32xi32>
    %ne3A_191 = arith.cmpi ne, %sign3A_182, %ne3A_190 : vector<4096x32xi32>
    %rem3A_192 = vector.broadcast %jit3A_171 : i32 to vector<4096x32xi32>
    %rem3A_193 = arith.remsi %iota3A_169, %rem3A_192 : vector<4096x32xi32>
    %ne3A_194 = arith.constant 0 : i32
    %ne3A_195 = vector.broadcast %ne3A_194 : i32 to vector<4096x32xi32>
    %ne3A_196 = arith.cmpi ne, %rem3A_193, %ne3A_195 : vector<4096x32xi32>
    %and3A_197 = arith.andi %ne3A_191, %ne3A_196 : vector<4096x32xi1>
    %sub3A_198 = arith.constant 1 : i32
    %sub3A_199 = vector.broadcast %sub3A_198 : i32 to vector<4096x32xi32>
    %sub3A_200 = arith.subi %div3A_173, %sub3A_199 : vector<4096x32xi32>
    %select_n3A_201 = arith.select %and3A_197, %sub3A_200, %div3A_173 : vector<4096x32xi1>, vector<4096x32xi32>
    %eq3A_202 = arith.cmpi eq, %select_n3A_201, %iota3A_170 : vector<4096x32xi32>
    %convert_element_type3A_203 = arith.extui %eq3A_202 : vector<4096x32xi1> to vector<4096x32xi32>
    %convert_element_type3A_204 = arith.sitofp %convert_element_type3A_203 : vector<4096x32xi32> to vector<4096x32xf32>
    %dot_general3A_205 = arith.constant dense<0.000000e+00> : vector<8x32xf32>
    %dot_general3A_206 = tpu.matmul %convert_element_type3A_23, %convert_element_type3A_204, %dot_general3A_205 {dimension_numbers = #tpu.dot_dimension_numbers<[1], [0], [0], [1], [0, 0, 1, 1], [], []>, transpose_lhs_hint = false} : vector<8x4096xf32>, vector<4096x32xf32>, vector<8x32xf32> -> vector<8x32xf32>
    %iota3A_207 = tpu.iota {dimensions = array<i32: 0>} : vector<32x32xi32>
    %iota3A_208 = tpu.iota {dimensions = array<i32: 1>} : vector<32x32xi32>
    %lt3A_209 = arith.cmpi slt, %iota3A_207, %iota3A_208 : vector<32x32xi32>
    %convert_element_type3A_210 = arith.extui %lt3A_209 : vector<32x32xi1> to vector<32x32xi32>
    %convert_element_type3A_211 = arith.sitofp %convert_element_type3A_210 : vector<32x32xi32> to vector<32x32xf32>
    %dot_general3A_212 = arith.constant dense<0.000000e+00> : vector<8x32xf32>
    %dot_general3A_213 = tpu.matmul %dot_general3A_206, %convert_element_type3A_211, %dot_general3A_212 {dimension_numbers = #tpu.dot_dimension_numbers<[1], [0], [0], [1], [0, 0, 1, 1], [], []>, transpose_lhs_hint = false} : vector<8x32xf32>, vector<32x32xf32>, vector<8x32xf32> -> vector<8x32xf32>
    %mul3A_214 = arith.constant 256 : i32
    %mul3A_215 = vector.broadcast %mul3A_214 : i32 to vector<8x1xi32>
    %mul3A_216 = arith.muli %convert_element_type3A_89, %mul3A_215 : vector<8x1xi32>
    %convert_element_type3A_217 = arith.sitofp %mul3A_216 : vector<8x1xi32> to vector<8x1xf32>
    %add3A_218 = vector.broadcast %convert_element_type3A_217 : vector<8x1xf32> to vector<8x32xf32>
    %add3A_219 = arith.addf %dot_general3A_213, %add3A_218 : vector<8x32xf32>
    %iota3A_220 = tpu.iota {dimensions = array<i32: 0>} : vector<128x128xi32>
    %iota3A_221 = tpu.iota {dimensions = array<i32: 1>} : vector<128x128xi32>
    %lt3A_222 = arith.cmpi slt, %iota3A_220, %iota3A_221 : vector<128x128xi32>
    %convert_element_type3A_223 = arith.extui %lt3A_222 : vector<128x128xi1> to vector<128x128xi32>
    %convert_element_type3A_224 = arith.sitofp %convert_element_type3A_223 : vector<128x128xi32> to vector<128x128xf32>
    %slice3A = vector.extract_strided_slice %convert_element_type3A_23 {offsets = [0, 0], sizes = [8, 128], strides = [1, 1]} : vector<8x4096xf32> to vector<8x128xf32>
    %dot_general3A_225 = arith.constant dense<0.000000e+00> : vector<8x128xf32>
    %dot_general3A_226 = tpu.matmul %slice3A, %convert_element_type3A_224, %dot_general3A_225 {dimension_numbers = #tpu.dot_dimension_numbers<[1], [0], [0], [1], [0, 0, 1, 1], [], []>, transpose_lhs_hint = false} : vector<8x128xf32>, vector<128x128xf32>, vector<8x128xf32> -> vector<8x128xf32>
    %slice3A_227 = vector.extract_strided_slice %add3A_219 {offsets = [0, 0], sizes = [8, 1], strides = [1, 1]} : vector<8x32xf32> to vector<8x1xf32>
    %add3A_228 = vector.broadcast %slice3A_227 : vector<8x1xf32> to vector<8x128xf32>
    %add3A_229 = arith.addf %add3A_228, %dot_general3A_226 : vector<8x128xf32>
    %mul3A_230 = arith.mulf %slice3A, %add3A_229 : vector<8x128xf32>
    %reduce_sum3A_231 = arith.constant dense<0.000000e+00> : vector<128xf32>
    %reduce_sum3A_232 = vector.multi_reduction <add>, %mul3A_230, %reduce_sum3A_231 [0] : vector<8x128xf32> to vector<128xf32>
    %broadcast_in_dim3A_233 = vector.shape_cast %reduce_sum3A_232 : vector<128xf32> to vector<1x128xf32>
    %slice3A_234 = vector.extract_strided_slice %convert_element_type3A_23 {offsets = [0, 128], sizes = [8, 128], strides = [1, 1]} : vector<8x4096xf32> to vector<8x128xf32>
    %dot_general3A_235 = arith.constant dense<0.000000e+00> : vector<8x128xf32>
    %dot_general3A_236 = tpu.matmul %slice3A_234, %convert_element_type3A_224, %dot_general3A_235 {dimension_numbers = #tpu.dot_dimension_numbers<[1], [0], [0], [1], [0, 0, 1, 1], [], []>, transpose_lhs_hint = false} : vector<8x128xf32>, vector<128x128xf32>, vector<8x128xf32> -> vector<8x128xf32>
    %slice3A_237 = vector.extract_strided_slice %add3A_219 {offsets = [0, 1], sizes = [8, 1], strides = [1, 1]} : vector<8x32xf32> to vector<8x1xf32>
    %add3A_238 = vector.broadcast %slice3A_237 : vector<8x1xf32> to vector<8x128xf32>
    %add3A_239 = arith.addf %add3A_238, %dot_general3A_236 : vector<8x128xf32>
    %mul3A_240 = arith.mulf %slice3A_234, %add3A_239 : vector<8x128xf32>
    %reduce_sum3A_241 = arith.constant dense<0.000000e+00> : vector<128xf32>
    %reduce_sum3A_242 = vector.multi_reduction <add>, %mul3A_240, %reduce_sum3A_241 [0] : vector<8x128xf32> to vector<128xf32>
    %broadcast_in_dim3A_243 = vector.shape_cast %reduce_sum3A_242 : vector<128xf32> to vector<1x128xf32>
    %slice3A_244 = vector.extract_strided_slice %convert_element_type3A_23 {offsets = [0, 256], sizes = [8, 128], strides = [1, 1]} : vector<8x4096xf32> to vector<8x128xf32>
    %dot_general3A_245 = arith.constant dense<0.000000e+00> : vector<8x128xf32>
    %dot_general3A_246 = tpu.matmul %slice3A_244, %convert_element_type3A_224, %dot_general3A_245 {dimension_numbers = #tpu.dot_dimension_numbers<[1], [0], [0], [1], [0, 0, 1, 1], [], []>, transpose_lhs_hint = false} : vector<8x128xf32>, vector<128x128xf32>, vector<8x128xf32> -> vector<8x128xf32>
    %slice3A_247 = vector.extract_strided_slice %add3A_219 {offsets = [0, 2], sizes = [8, 1], strides = [1, 1]} : vector<8x32xf32> to vector<8x1xf32>
    %add3A_248 = vector.broadcast %slice3A_247 : vector<8x1xf32> to vector<8x128xf32>
    %add3A_249 = arith.addf %add3A_248, %dot_general3A_246 : vector<8x128xf32>
    %mul3A_250 = arith.mulf %slice3A_244, %add3A_249 : vector<8x128xf32>
    %reduce_sum3A_251 = arith.constant dense<0.000000e+00> : vector<128xf32>
    %reduce_sum3A_252 = vector.multi_reduction <add>, %mul3A_250, %reduce_sum3A_251 [0] : vector<8x128xf32> to vector<128xf32>
    %broadcast_in_dim3A_253 = vector.shape_cast %reduce_sum3A_252 : vector<128xf32> to vector<1x128xf32>
    %slice3A_254 = vector.extract_strided_slice %convert_element_type3A_23 {offsets = [0, 384], sizes = [8, 128], strides = [1, 1]} : vector<8x4096xf32> to vector<8x128xf32>
    %dot_general3A_255 = arith.constant dense<0.000000e+00> : vector<8x128xf32>
    %dot_general3A_256 = tpu.matmul %slice3A_254, %convert_element_type3A_224, %dot_general3A_255 {dimension_numbers = #tpu.dot_dimension_numbers<[1], [0], [0], [1], [0, 0, 1, 1], [], []>, transpose_lhs_hint = false} : vector<8x128xf32>, vector<128x128xf32>, vector<8x128xf32> -> vector<8x128xf32>
    %slice3A_257 = vector.extract_strided_slice %add3A_219 {offsets = [0, 3], sizes = [8, 1], strides = [1, 1]} : vector<8x32xf32> to vector<8x1xf32>
    %add3A_258 = vector.broadcast %slice3A_257 : vector<8x1xf32> to vector<8x128xf32>
    %add3A_259 = arith.addf %add3A_258, %dot_general3A_256 : vector<8x128xf32>
    %mul3A_260 = arith.mulf %slice3A_254, %add3A_259 : vector<8x128xf32>
    %reduce_sum3A_261 = arith.constant dense<0.000000e+00> : vector<128xf32>
    %reduce_sum3A_262 = vector.multi_reduction <add>, %mul3A_260, %reduce_sum3A_261 [0] : vector<8x128xf32> to vector<128xf32>
    %broadcast_in_dim3A_263 = vector.shape_cast %reduce_sum3A_262 : vector<128xf32> to vector<1x128xf32>
    %slice3A_264 = vector.extract_strided_slice %convert_element_type3A_23 {offsets = [0, 512], sizes = [8, 128], strides = [1, 1]} : vector<8x4096xf32> to vector<8x128xf32>
    %dot_general3A_265 = arith.constant dense<0.000000e+00> : vector<8x128xf32>
    %dot_general3A_266 = tpu.matmul %slice3A_264, %convert_element_type3A_224, %dot_general3A_265 {dimension_numbers = #tpu.dot_dimension_numbers<[1], [0], [0], [1], [0, 0, 1, 1], [], []>, transpose_lhs_hint = false} : vector<8x128xf32>, vector<128x128xf32>, vector<8x128xf32> -> vector<8x128xf32>
    %slice3A_267 = vector.extract_strided_slice %add3A_219 {offsets = [0, 4], sizes = [8, 1], strides = [1, 1]} : vector<8x32xf32> to vector<8x1xf32>
    %add3A_268 = vector.broadcast %slice3A_267 : vector<8x1xf32> to vector<8x128xf32>
    %add3A_269 = arith.addf %add3A_268, %dot_general3A_266 : vector<8x128xf32>
    %mul3A_270 = arith.mulf %slice3A_264, %add3A_269 : vector<8x128xf32>
    %reduce_sum3A_271 = arith.constant dense<0.000000e+00> : vector<128xf32>
    %reduce_sum3A_272 = vector.multi_reduction <add>, %mul3A_270, %reduce_sum3A_271 [0] : vector<8x128xf32> to vector<128xf32>
    %broadcast_in_dim3A_273 = vector.shape_cast %reduce_sum3A_272 : vector<128xf32> to vector<1x128xf32>
    %slice3A_274 = vector.extract_strided_slice %convert_element_type3A_23 {offsets = [0, 640], sizes = [8, 128], strides = [1, 1]} : vector<8x4096xf32> to vector<8x128xf32>
    %dot_general3A_275 = arith.constant dense<0.000000e+00> : vector<8x128xf32>
    %dot_general3A_276 = tpu.matmul %slice3A_274, %convert_element_type3A_224, %dot_general3A_275 {dimension_numbers = #tpu.dot_dimension_numbers<[1], [0], [0], [1], [0, 0, 1, 1], [], []>, transpose_lhs_hint = false} : vector<8x128xf32>, vector<128x128xf32>, vector<8x128xf32> -> vector<8x128xf32>
    %slice3A_277 = vector.extract_strided_slice %add3A_219 {offsets = [0, 5], sizes = [8, 1], strides = [1, 1]} : vector<8x32xf32> to vector<8x1xf32>
    %add3A_278 = vector.broadcast %slice3A_277 : vector<8x1xf32> to vector<8x128xf32>
    %add3A_279 = arith.addf %add3A_278, %dot_general3A_276 : vector<8x128xf32>
    %mul3A_280 = arith.mulf %slice3A_274, %add3A_279 : vector<8x128xf32>
    %reduce_sum3A_281 = arith.constant dense<0.000000e+00> : vector<128xf32>
    %reduce_sum3A_282 = vector.multi_reduction <add>, %mul3A_280, %reduce_sum3A_281 [0] : vector<8x128xf32> to vector<128xf32>
    %broadcast_in_dim3A_283 = vector.shape_cast %reduce_sum3A_282 : vector<128xf32> to vector<1x128xf32>
    %slice3A_284 = vector.extract_strided_slice %convert_element_type3A_23 {offsets = [0, 768], sizes = [8, 128], strides = [1, 1]} : vector<8x4096xf32> to vector<8x128xf32>
    %dot_general3A_285 = arith.constant dense<0.000000e+00> : vector<8x128xf32>
    %dot_general3A_286 = tpu.matmul %slice3A_284, %convert_element_type3A_224, %dot_general3A_285 {dimension_numbers = #tpu.dot_dimension_numbers<[1], [0], [0], [1], [0, 0, 1, 1], [], []>, transpose_lhs_hint = false} : vector<8x128xf32>, vector<128x128xf32>, vector<8x128xf32> -> vector<8x128xf32>
    %slice3A_287 = vector.extract_strided_slice %add3A_219 {offsets = [0, 6], sizes = [8, 1], strides = [1, 1]} : vector<8x32xf32> to vector<8x1xf32>
    %add3A_288 = vector.broadcast %slice3A_287 : vector<8x1xf32> to vector<8x128xf32>
    %add3A_289 = arith.addf %add3A_288, %dot_general3A_286 : vector<8x128xf32>
    %mul3A_290 = arith.mulf %slice3A_284, %add3A_289 : vector<8x128xf32>
    %reduce_sum3A_291 = arith.constant dense<0.000000e+00> : vector<128xf32>
    %reduce_sum3A_292 = vector.multi_reduction <add>, %mul3A_290, %reduce_sum3A_291 [0] : vector<8x128xf32> to vector<128xf32>
    %broadcast_in_dim3A_293 = vector.shape_cast %reduce_sum3A_292 : vector<128xf32> to vector<1x128xf32>
    %slice3A_294 = vector.extract_strided_slice %convert_element_type3A_23 {offsets = [0, 896], sizes = [8, 128], strides = [1, 1]} : vector<8x4096xf32> to vector<8x128xf32>
    %dot_general3A_295 = arith.constant dense<0.000000e+00> : vector<8x128xf32>
    %dot_general3A_296 = tpu.matmul %slice3A_294, %convert_element_type3A_224, %dot_general3A_295 {dimension_numbers = #tpu.dot_dimension_numbers<[1], [0], [0], [1], [0, 0, 1, 1], [], []>, transpose_lhs_hint = false} : vector<8x128xf32>, vector<128x128xf32>, vector<8x128xf32> -> vector<8x128xf32>
    %slice3A_297 = vector.extract_strided_slice %add3A_219 {offsets = [0, 7], sizes = [8, 1], strides = [1, 1]} : vector<8x32xf32> to vector<8x1xf32>
    %add3A_298 = vector.broadcast %slice3A_297 : vector<8x1xf32> to vector<8x128xf32>
    %add3A_299 = arith.addf %add3A_298, %dot_general3A_296 : vector<8x128xf32>
    %mul3A_300 = arith.mulf %slice3A_294, %add3A_299 : vector<8x128xf32>
    %reduce_sum3A_301 = arith.constant dense<0.000000e+00> : vector<128xf32>
    %reduce_sum3A_302 = vector.multi_reduction <add>, %mul3A_300, %reduce_sum3A_301 [0] : vector<8x128xf32> to vector<128xf32>
    %broadcast_in_dim3A_303 = vector.shape_cast %reduce_sum3A_302 : vector<128xf32> to vector<1x128xf32>
    %slice3A_304 = vector.extract_strided_slice %convert_element_type3A_23 {offsets = [0, 1024], sizes = [8, 128], strides = [1, 1]} : vector<8x4096xf32> to vector<8x128xf32>
    %dot_general3A_305 = arith.constant dense<0.000000e+00> : vector<8x128xf32>
    %dot_general3A_306 = tpu.matmul %slice3A_304, %convert_element_type3A_224, %dot_general3A_305 {dimension_numbers = #tpu.dot_dimension_numbers<[1], [0], [0], [1], [0, 0, 1, 1], [], []>, transpose_lhs_hint = false} : vector<8x128xf32>, vector<128x128xf32>, vector<8x128xf32> -> vector<8x128xf32>
    %slice3A_307 = vector.extract_strided_slice %add3A_219 {offsets = [0, 8], sizes = [8, 1], strides = [1, 1]} : vector<8x32xf32> to vector<8x1xf32>
    %add3A_308 = vector.broadcast %slice3A_307 : vector<8x1xf32> to vector<8x128xf32>
    %add3A_309 = arith.addf %add3A_308, %dot_general3A_306 : vector<8x128xf32>
    %mul3A_310 = arith.mulf %slice3A_304, %add3A_309 : vector<8x128xf32>
    %reduce_sum3A_311 = arith.constant dense<0.000000e+00> : vector<128xf32>
    %reduce_sum3A_312 = vector.multi_reduction <add>, %mul3A_310, %reduce_sum3A_311 [0] : vector<8x128xf32> to vector<128xf32>
    %broadcast_in_dim3A_313 = vector.shape_cast %reduce_sum3A_312 : vector<128xf32> to vector<1x128xf32>
    %slice3A_314 = vector.extract_strided_slice %convert_element_type3A_23 {offsets = [0, 1152], sizes = [8, 128], strides = [1, 1]} : vector<8x4096xf32> to vector<8x128xf32>
    %dot_general3A_315 = arith.constant dense<0.000000e+00> : vector<8x128xf32>
    %dot_general3A_316 = tpu.matmul %slice3A_314, %convert_element_type3A_224, %dot_general3A_315 {dimension_numbers = #tpu.dot_dimension_numbers<[1], [0], [0], [1], [0, 0, 1, 1], [], []>, transpose_lhs_hint = false} : vector<8x128xf32>, vector<128x128xf32>, vector<8x128xf32> -> vector<8x128xf32>
    %slice3A_317 = vector.extract_strided_slice %add3A_219 {offsets = [0, 9], sizes = [8, 1], strides = [1, 1]} : vector<8x32xf32> to vector<8x1xf32>
    %add3A_318 = vector.broadcast %slice3A_317 : vector<8x1xf32> to vector<8x128xf32>
    %add3A_319 = arith.addf %add3A_318, %dot_general3A_316 : vector<8x128xf32>
    %mul3A_320 = arith.mulf %slice3A_314, %add3A_319 : vector<8x128xf32>
    %reduce_sum3A_321 = arith.constant dense<0.000000e+00> : vector<128xf32>
    %reduce_sum3A_322 = vector.multi_reduction <add>, %mul3A_320, %reduce_sum3A_321 [0] : vector<8x128xf32> to vector<128xf32>
    %broadcast_in_dim3A_323 = vector.shape_cast %reduce_sum3A_322 : vector<128xf32> to vector<1x128xf32>
    %slice3A_324 = vector.extract_strided_slice %convert_element_type3A_23 {offsets = [0, 1280], sizes = [8, 128], strides = [1, 1]} : vector<8x4096xf32> to vector<8x128xf32>
    %dot_general3A_325 = arith.constant dense<0.000000e+00> : vector<8x128xf32>
    %dot_general3A_326 = tpu.matmul %slice3A_324, %convert_element_type3A_224, %dot_general3A_325 {dimension_numbers = #tpu.dot_dimension_numbers<[1], [0], [0], [1], [0, 0, 1, 1], [], []>, transpose_lhs_hint = false} : vector<8x128xf32>, vector<128x128xf32>, vector<8x128xf32> -> vector<8x128xf32>
    %slice3A_327 = vector.extract_strided_slice %add3A_219 {offsets = [0, 10], sizes = [8, 1], strides = [1, 1]} : vector<8x32xf32> to vector<8x1xf32>
    %add3A_328 = vector.broadcast %slice3A_327 : vector<8x1xf32> to vector<8x128xf32>
    %add3A_329 = arith.addf %add3A_328, %dot_general3A_326 : vector<8x128xf32>
    %mul3A_330 = arith.mulf %slice3A_324, %add3A_329 : vector<8x128xf32>
    %reduce_sum3A_331 = arith.constant dense<0.000000e+00> : vector<128xf32>
    %reduce_sum3A_332 = vector.multi_reduction <add>, %mul3A_330, %reduce_sum3A_331 [0] : vector<8x128xf32> to vector<128xf32>
    %broadcast_in_dim3A_333 = vector.shape_cast %reduce_sum3A_332 : vector<128xf32> to vector<1x128xf32>
    %slice3A_334 = vector.extract_strided_slice %convert_element_type3A_23 {offsets = [0, 1408], sizes = [8, 128], strides = [1, 1]} : vector<8x4096xf32> to vector<8x128xf32>
    %dot_general3A_335 = arith.constant dense<0.000000e+00> : vector<8x128xf32>
    %dot_general3A_336 = tpu.matmul %slice3A_334, %convert_element_type3A_224, %dot_general3A_335 {dimension_numbers = #tpu.dot_dimension_numbers<[1], [0], [0], [1], [0, 0, 1, 1], [], []>, transpose_lhs_hint = false} : vector<8x128xf32>, vector<128x128xf32>, vector<8x128xf32> -> vector<8x128xf32>
    %slice3A_337 = vector.extract_strided_slice %add3A_219 {offsets = [0, 11], sizes = [8, 1], strides = [1, 1]} : vector<8x32xf32> to vector<8x1xf32>
    %add3A_338 = vector.broadcast %slice3A_337 : vector<8x1xf32> to vector<8x128xf32>
    %add3A_339 = arith.addf %add3A_338, %dot_general3A_336 : vector<8x128xf32>
    %mul3A_340 = arith.mulf %slice3A_334, %add3A_339 : vector<8x128xf32>
    %reduce_sum3A_341 = arith.constant dense<0.000000e+00> : vector<128xf32>
    %reduce_sum3A_342 = vector.multi_reduction <add>, %mul3A_340, %reduce_sum3A_341 [0] : vector<8x128xf32> to vector<128xf32>
    %broadcast_in_dim3A_343 = vector.shape_cast %reduce_sum3A_342 : vector<128xf32> to vector<1x128xf32>
    %slice3A_344 = vector.extract_strided_slice %convert_element_type3A_23 {offsets = [0, 1536], sizes = [8, 128], strides = [1, 1]} : vector<8x4096xf32> to vector<8x128xf32>
    %dot_general3A_345 = arith.constant dense<0.000000e+00> : vector<8x128xf32>
    %dot_general3A_346 = tpu.matmul %slice3A_344, %convert_element_type3A_224, %dot_general3A_345 {dimension_numbers = #tpu.dot_dimension_numbers<[1], [0], [0], [1], [0, 0, 1, 1], [], []>, transpose_lhs_hint = false} : vector<8x128xf32>, vector<128x128xf32>, vector<8x128xf32> -> vector<8x128xf32>
    %slice3A_347 = vector.extract_strided_slice %add3A_219 {offsets = [0, 12], sizes = [8, 1], strides = [1, 1]} : vector<8x32xf32> to vector<8x1xf32>
    %add3A_348 = vector.broadcast %slice3A_347 : vector<8x1xf32> to vector<8x128xf32>
    %add3A_349 = arith.addf %add3A_348, %dot_general3A_346 : vector<8x128xf32>
    %mul3A_350 = arith.mulf %slice3A_344, %add3A_349 : vector<8x128xf32>
    %reduce_sum3A_351 = arith.constant dense<0.000000e+00> : vector<128xf32>
    %reduce_sum3A_352 = vector.multi_reduction <add>, %mul3A_350, %reduce_sum3A_351 [0] : vector<8x128xf32> to vector<128xf32>
    %broadcast_in_dim3A_353 = vector.shape_cast %reduce_sum3A_352 : vector<128xf32> to vector<1x128xf32>
    %slice3A_354 = vector.extract_strided_slice %convert_element_type3A_23 {offsets = [0, 1664], sizes = [8, 128], strides = [1, 1]} : vector<8x4096xf32> to vector<8x128xf32>
    %dot_general3A_355 = arith.constant dense<0.000000e+00> : vector<8x128xf32>
    %dot_general3A_356 = tpu.matmul %slice3A_354, %convert_element_type3A_224, %dot_general3A_355 {dimension_numbers = #tpu.dot_dimension_numbers<[1], [0], [0], [1], [0, 0, 1, 1], [], []>, transpose_lhs_hint = false} : vector<8x128xf32>, vector<128x128xf32>, vector<8x128xf32> -> vector<8x128xf32>
    %slice3A_357 = vector.extract_strided_slice %add3A_219 {offsets = [0, 13], sizes = [8, 1], strides = [1, 1]} : vector<8x32xf32> to vector<8x1xf32>
    %add3A_358 = vector.broadcast %slice3A_357 : vector<8x1xf32> to vector<8x128xf32>
    %add3A_359 = arith.addf %add3A_358, %dot_general3A_356 : vector<8x128xf32>
    %mul3A_360 = arith.mulf %slice3A_354, %add3A_359 : vector<8x128xf32>
    %reduce_sum3A_361 = arith.constant dense<0.000000e+00> : vector<128xf32>
    %reduce_sum3A_362 = vector.multi_reduction <add>, %mul3A_360, %reduce_sum3A_361 [0] : vector<8x128xf32> to vector<128xf32>
    %broadcast_in_dim3A_363 = vector.shape_cast %reduce_sum3A_362 : vector<128xf32> to vector<1x128xf32>
    %slice3A_364 = vector.extract_strided_slice %convert_element_type3A_23 {offsets = [0, 1792], sizes = [8, 128], strides = [1, 1]} : vector<8x4096xf32> to vector<8x128xf32>
    %dot_general3A_365 = arith.constant dense<0.000000e+00> : vector<8x128xf32>
    %dot_general3A_366 = tpu.matmul %slice3A_364, %convert_element_type3A_224, %dot_general3A_365 {dimension_numbers = #tpu.dot_dimension_numbers<[1], [0], [0], [1], [0, 0, 1, 1], [], []>, transpose_lhs_hint = false} : vector<8x128xf32>, vector<128x128xf32>, vector<8x128xf32> -> vector<8x128xf32>
    %slice3A_367 = vector.extract_strided_slice %add3A_219 {offsets = [0, 14], sizes = [8, 1], strides = [1, 1]} : vector<8x32xf32> to vector<8x1xf32>
    %add3A_368 = vector.broadcast %slice3A_367 : vector<8x1xf32> to vector<8x128xf32>
    %add3A_369 = arith.addf %add3A_368, %dot_general3A_366 : vector<8x128xf32>
    %mul3A_370 = arith.mulf %slice3A_364, %add3A_369 : vector<8x128xf32>
    %reduce_sum3A_371 = arith.constant dense<0.000000e+00> : vector<128xf32>
    %reduce_sum3A_372 = vector.multi_reduction <add>, %mul3A_370, %reduce_sum3A_371 [0] : vector<8x128xf32> to vector<128xf32>
    %broadcast_in_dim3A_373 = vector.shape_cast %reduce_sum3A_372 : vector<128xf32> to vector<1x128xf32>
    %slice3A_374 = vector.extract_strided_slice %convert_element_type3A_23 {offsets = [0, 1920], sizes = [8, 128], strides = [1, 1]} : vector<8x4096xf32> to vector<8x128xf32>
    %dot_general3A_375 = arith.constant dense<0.000000e+00> : vector<8x128xf32>
    %dot_general3A_376 = tpu.matmul %slice3A_374, %convert_element_type3A_224, %dot_general3A_375 {dimension_numbers = #tpu.dot_dimension_numbers<[1], [0], [0], [1], [0, 0, 1, 1], [], []>, transpose_lhs_hint = false} : vector<8x128xf32>, vector<128x128xf32>, vector<8x128xf32> -> vector<8x128xf32>
    %slice3A_377 = vector.extract_strided_slice %add3A_219 {offsets = [0, 15], sizes = [8, 1], strides = [1, 1]} : vector<8x32xf32> to vector<8x1xf32>
    %add3A_378 = vector.broadcast %slice3A_377 : vector<8x1xf32> to vector<8x128xf32>
    %add3A_379 = arith.addf %add3A_378, %dot_general3A_376 : vector<8x128xf32>
    %mul3A_380 = arith.mulf %slice3A_374, %add3A_379 : vector<8x128xf32>
    %reduce_sum3A_381 = arith.constant dense<0.000000e+00> : vector<128xf32>
    %reduce_sum3A_382 = vector.multi_reduction <add>, %mul3A_380, %reduce_sum3A_381 [0] : vector<8x128xf32> to vector<128xf32>
    %broadcast_in_dim3A_383 = vector.shape_cast %reduce_sum3A_382 : vector<128xf32> to vector<1x128xf32>
    %slice3A_384 = vector.extract_strided_slice %convert_element_type3A_23 {offsets = [0, 2048], sizes = [8, 128], strides = [1, 1]} : vector<8x4096xf32> to vector<8x128xf32>
    %dot_general3A_385 = arith.constant dense<0.000000e+00> : vector<8x128xf32>
    %dot_general3A_386 = tpu.matmul %slice3A_384, %convert_element_type3A_224, %dot_general3A_385 {dimension_numbers = #tpu.dot_dimension_numbers<[1], [0], [0], [1], [0, 0, 1, 1], [], []>, transpose_lhs_hint = false} : vector<8x128xf32>, vector<128x128xf32>, vector<8x128xf32> -> vector<8x128xf32>
    %slice3A_387 = vector.extract_strided_slice %add3A_219 {offsets = [0, 16], sizes = [8, 1], strides = [1, 1]} : vector<8x32xf32> to vector<8x1xf32>
    %add3A_388 = vector.broadcast %slice3A_387 : vector<8x1xf32> to vector<8x128xf32>
    %add3A_389 = arith.addf %add3A_388, %dot_general3A_386 : vector<8x128xf32>
    %mul3A_390 = arith.mulf %slice3A_384, %add3A_389 : vector<8x128xf32>
    %reduce_sum3A_391 = arith.constant dense<0.000000e+00> : vector<128xf32>
    %reduce_sum3A_392 = vector.multi_reduction <add>, %mul3A_390, %reduce_sum3A_391 [0] : vector<8x128xf32> to vector<128xf32>
    %broadcast_in_dim3A_393 = vector.shape_cast %reduce_sum3A_392 : vector<128xf32> to vector<1x128xf32>
    %slice3A_394 = vector.extract_strided_slice %convert_element_type3A_23 {offsets = [0, 2176], sizes = [8, 128], strides = [1, 1]} : vector<8x4096xf32> to vector<8x128xf32>
    %dot_general3A_395 = arith.constant dense<0.000000e+00> : vector<8x128xf32>
    %dot_general3A_396 = tpu.matmul %slice3A_394, %convert_element_type3A_224, %dot_general3A_395 {dimension_numbers = #tpu.dot_dimension_numbers<[1], [0], [0], [1], [0, 0, 1, 1], [], []>, transpose_lhs_hint = false} : vector<8x128xf32>, vector<128x128xf32>, vector<8x128xf32> -> vector<8x128xf32>
    %slice3A_397 = vector.extract_strided_slice %add3A_219 {offsets = [0, 17], sizes = [8, 1], strides = [1, 1]} : vector<8x32xf32> to vector<8x1xf32>
    %add3A_398 = vector.broadcast %slice3A_397 : vector<8x1xf32> to vector<8x128xf32>
    %add3A_399 = arith.addf %add3A_398, %dot_general3A_396 : vector<8x128xf32>
    %mul3A_400 = arith.mulf %slice3A_394, %add3A_399 : vector<8x128xf32>
    %reduce_sum3A_401 = arith.constant dense<0.000000e+00> : vector<128xf32>
    %reduce_sum3A_402 = vector.multi_reduction <add>, %mul3A_400, %reduce_sum3A_401 [0] : vector<8x128xf32> to vector<128xf32>
    %broadcast_in_dim3A_403 = vector.shape_cast %reduce_sum3A_402 : vector<128xf32> to vector<1x128xf32>
    %slice3A_404 = vector.extract_strided_slice %convert_element_type3A_23 {offsets = [0, 2304], sizes = [8, 128], strides = [1, 1]} : vector<8x4096xf32> to vector<8x128xf32>
    %dot_general3A_405 = arith.constant dense<0.000000e+00> : vector<8x128xf32>
    %dot_general3A_406 = tpu.matmul %slice3A_404, %convert_element_type3A_224, %dot_general3A_405 {dimension_numbers = #tpu.dot_dimension_numbers<[1], [0], [0], [1], [0, 0, 1, 1], [], []>, transpose_lhs_hint = false} : vector<8x128xf32>, vector<128x128xf32>, vector<8x128xf32> -> vector<8x128xf32>
    %slice3A_407 = vector.extract_strided_slice %add3A_219 {offsets = [0, 18], sizes = [8, 1], strides = [1, 1]} : vector<8x32xf32> to vector<8x1xf32>
    %add3A_408 = vector.broadcast %slice3A_407 : vector<8x1xf32> to vector<8x128xf32>
    %add3A_409 = arith.addf %add3A_408, %dot_general3A_406 : vector<8x128xf32>
    %mul3A_410 = arith.mulf %slice3A_404, %add3A_409 : vector<8x128xf32>
    %reduce_sum3A_411 = arith.constant dense<0.000000e+00> : vector<128xf32>
    %reduce_sum3A_412 = vector.multi_reduction <add>, %mul3A_410, %reduce_sum3A_411 [0] : vector<8x128xf32> to vector<128xf32>
    %broadcast_in_dim3A_413 = vector.shape_cast %reduce_sum3A_412 : vector<128xf32> to vector<1x128xf32>
    %slice3A_414 = vector.extract_strided_slice %convert_element_type3A_23 {offsets = [0, 2432], sizes = [8, 128], strides = [1, 1]} : vector<8x4096xf32> to vector<8x128xf32>
    %dot_general3A_415 = arith.constant dense<0.000000e+00> : vector<8x128xf32>
    %dot_general3A_416 = tpu.matmul %slice3A_414, %convert_element_type3A_224, %dot_general3A_415 {dimension_numbers = #tpu.dot_dimension_numbers<[1], [0], [0], [1], [0, 0, 1, 1], [], []>, transpose_lhs_hint = false} : vector<8x128xf32>, vector<128x128xf32>, vector<8x128xf32> -> vector<8x128xf32>
    %slice3A_417 = vector.extract_strided_slice %add3A_219 {offsets = [0, 19], sizes = [8, 1], strides = [1, 1]} : vector<8x32xf32> to vector<8x1xf32>
    %add3A_418 = vector.broadcast %slice3A_417 : vector<8x1xf32> to vector<8x128xf32>
    %add3A_419 = arith.addf %add3A_418, %dot_general3A_416 : vector<8x128xf32>
    %mul3A_420 = arith.mulf %slice3A_414, %add3A_419 : vector<8x128xf32>
    %reduce_sum3A_421 = arith.constant dense<0.000000e+00> : vector<128xf32>
    %reduce_sum3A_422 = vector.multi_reduction <add>, %mul3A_420, %reduce_sum3A_421 [0] : vector<8x128xf32> to vector<128xf32>
    %broadcast_in_dim3A_423 = vector.shape_cast %reduce_sum3A_422 : vector<128xf32> to vector<1x128xf32>
    %slice3A_424 = vector.extract_strided_slice %convert_element_type3A_23 {offsets = [0, 2560], sizes = [8, 128], strides = [1, 1]} : vector<8x4096xf32> to vector<8x128xf32>
    %dot_general3A_425 = arith.constant dense<0.000000e+00> : vector<8x128xf32>
    %dot_general3A_426 = tpu.matmul %slice3A_424, %convert_element_type3A_224, %dot_general3A_425 {dimension_numbers = #tpu.dot_dimension_numbers<[1], [0], [0], [1], [0, 0, 1, 1], [], []>, transpose_lhs_hint = false} : vector<8x128xf32>, vector<128x128xf32>, vector<8x128xf32> -> vector<8x128xf32>
    %slice3A_427 = vector.extract_strided_slice %add3A_219 {offsets = [0, 20], sizes = [8, 1], strides = [1, 1]} : vector<8x32xf32> to vector<8x1xf32>
    %add3A_428 = vector.broadcast %slice3A_427 : vector<8x1xf32> to vector<8x128xf32>
    %add3A_429 = arith.addf %add3A_428, %dot_general3A_426 : vector<8x128xf32>
    %mul3A_430 = arith.mulf %slice3A_424, %add3A_429 : vector<8x128xf32>
    %reduce_sum3A_431 = arith.constant dense<0.000000e+00> : vector<128xf32>
    %reduce_sum3A_432 = vector.multi_reduction <add>, %mul3A_430, %reduce_sum3A_431 [0] : vector<8x128xf32> to vector<128xf32>
    %broadcast_in_dim3A_433 = vector.shape_cast %reduce_sum3A_432 : vector<128xf32> to vector<1x128xf32>
    %slice3A_434 = vector.extract_strided_slice %convert_element_type3A_23 {offsets = [0, 2688], sizes = [8, 128], strides = [1, 1]} : vector<8x4096xf32> to vector<8x128xf32>
    %dot_general3A_435 = arith.constant dense<0.000000e+00> : vector<8x128xf32>
    %dot_general3A_436 = tpu.matmul %slice3A_434, %convert_element_type3A_224, %dot_general3A_435 {dimension_numbers = #tpu.dot_dimension_numbers<[1], [0], [0], [1], [0, 0, 1, 1], [], []>, transpose_lhs_hint = false} : vector<8x128xf32>, vector<128x128xf32>, vector<8x128xf32> -> vector<8x128xf32>
    %slice3A_437 = vector.extract_strided_slice %add3A_219 {offsets = [0, 21], sizes = [8, 1], strides = [1, 1]} : vector<8x32xf32> to vector<8x1xf32>
    %add3A_438 = vector.broadcast %slice3A_437 : vector<8x1xf32> to vector<8x128xf32>
    %add3A_439 = arith.addf %add3A_438, %dot_general3A_436 : vector<8x128xf32>
    %mul3A_440 = arith.mulf %slice3A_434, %add3A_439 : vector<8x128xf32>
    %reduce_sum3A_441 = arith.constant dense<0.000000e+00> : vector<128xf32>
    %reduce_sum3A_442 = vector.multi_reduction <add>, %mul3A_440, %reduce_sum3A_441 [0] : vector<8x128xf32> to vector<128xf32>
    %broadcast_in_dim3A_443 = vector.shape_cast %reduce_sum3A_442 : vector<128xf32> to vector<1x128xf32>
    %slice3A_444 = vector.extract_strided_slice %convert_element_type3A_23 {offsets = [0, 2816], sizes = [8, 128], strides = [1, 1]} : vector<8x4096xf32> to vector<8x128xf32>
    %dot_general3A_445 = arith.constant dense<0.000000e+00> : vector<8x128xf32>
    %dot_general3A_446 = tpu.matmul %slice3A_444, %convert_element_type3A_224, %dot_general3A_445 {dimension_numbers = #tpu.dot_dimension_numbers<[1], [0], [0], [1], [0, 0, 1, 1], [], []>, transpose_lhs_hint = false} : vector<8x128xf32>, vector<128x128xf32>, vector<8x128xf32> -> vector<8x128xf32>
    %slice3A_447 = vector.extract_strided_slice %add3A_219 {offsets = [0, 22], sizes = [8, 1], strides = [1, 1]} : vector<8x32xf32> to vector<8x1xf32>
    %add3A_448 = vector.broadcast %slice3A_447 : vector<8x1xf32> to vector<8x128xf32>
    %add3A_449 = arith.addf %add3A_448, %dot_general3A_446 : vector<8x128xf32>
    %mul3A_450 = arith.mulf %slice3A_444, %add3A_449 : vector<8x128xf32>
    %reduce_sum3A_451 = arith.constant dense<0.000000e+00> : vector<128xf32>
    %reduce_sum3A_452 = vector.multi_reduction <add>, %mul3A_450, %reduce_sum3A_451 [0] : vector<8x128xf32> to vector<128xf32>
    %broadcast_in_dim3A_453 = vector.shape_cast %reduce_sum3A_452 : vector<128xf32> to vector<1x128xf32>
    %slice3A_454 = vector.extract_strided_slice %convert_element_type3A_23 {offsets = [0, 2944], sizes = [8, 128], strides = [1, 1]} : vector<8x4096xf32> to vector<8x128xf32>
    %dot_general3A_455 = arith.constant dense<0.000000e+00> : vector<8x128xf32>
    %dot_general3A_456 = tpu.matmul %slice3A_454, %convert_element_type3A_224, %dot_general3A_455 {dimension_numbers = #tpu.dot_dimension_numbers<[1], [0], [0], [1], [0, 0, 1, 1], [], []>, transpose_lhs_hint = false} : vector<8x128xf32>, vector<128x128xf32>, vector<8x128xf32> -> vector<8x128xf32>
    %slice3A_457 = vector.extract_strided_slice %add3A_219 {offsets = [0, 23], sizes = [8, 1], strides = [1, 1]} : vector<8x32xf32> to vector<8x1xf32>
    %add3A_458 = vector.broadcast %slice3A_457 : vector<8x1xf32> to vector<8x128xf32>
    %add3A_459 = arith.addf %add3A_458, %dot_general3A_456 : vector<8x128xf32>
    %mul3A_460 = arith.mulf %slice3A_454, %add3A_459 : vector<8x128xf32>
    %reduce_sum3A_461 = arith.constant dense<0.000000e+00> : vector<128xf32>
    %reduce_sum3A_462 = vector.multi_reduction <add>, %mul3A_460, %reduce_sum3A_461 [0] : vector<8x128xf32> to vector<128xf32>
    %broadcast_in_dim3A_463 = vector.shape_cast %reduce_sum3A_462 : vector<128xf32> to vector<1x128xf32>
    %slice3A_464 = vector.extract_strided_slice %convert_element_type3A_23 {offsets = [0, 3072], sizes = [8, 128], strides = [1, 1]} : vector<8x4096xf32> to vector<8x128xf32>
    %dot_general3A_465 = arith.constant dense<0.000000e+00> : vector<8x128xf32>
    %dot_general3A_466 = tpu.matmul %slice3A_464, %convert_element_type3A_224, %dot_general3A_465 {dimension_numbers = #tpu.dot_dimension_numbers<[1], [0], [0], [1], [0, 0, 1, 1], [], []>, transpose_lhs_hint = false} : vector<8x128xf32>, vector<128x128xf32>, vector<8x128xf32> -> vector<8x128xf32>
    %slice3A_467 = vector.extract_strided_slice %add3A_219 {offsets = [0, 24], sizes = [8, 1], strides = [1, 1]} : vector<8x32xf32> to vector<8x1xf32>
    %add3A_468 = vector.broadcast %slice3A_467 : vector<8x1xf32> to vector<8x128xf32>
    %add3A_469 = arith.addf %add3A_468, %dot_general3A_466 : vector<8x128xf32>
    %mul3A_470 = arith.mulf %slice3A_464, %add3A_469 : vector<8x128xf32>
    %reduce_sum3A_471 = arith.constant dense<0.000000e+00> : vector<128xf32>
    %reduce_sum3A_472 = vector.multi_reduction <add>, %mul3A_470, %reduce_sum3A_471 [0] : vector<8x128xf32> to vector<128xf32>
    %broadcast_in_dim3A_473 = vector.shape_cast %reduce_sum3A_472 : vector<128xf32> to vector<1x128xf32>
    %slice3A_474 = vector.extract_strided_slice %convert_element_type3A_23 {offsets = [0, 3200], sizes = [8, 128], strides = [1, 1]} : vector<8x4096xf32> to vector<8x128xf32>
    %dot_general3A_475 = arith.constant dense<0.000000e+00> : vector<8x128xf32>
    %dot_general3A_476 = tpu.matmul %slice3A_474, %convert_element_type3A_224, %dot_general3A_475 {dimension_numbers = #tpu.dot_dimension_numbers<[1], [0], [0], [1], [0, 0, 1, 1], [], []>, transpose_lhs_hint = false} : vector<8x128xf32>, vector<128x128xf32>, vector<8x128xf32> -> vector<8x128xf32>
    %slice3A_477 = vector.extract_strided_slice %add3A_219 {offsets = [0, 25], sizes = [8, 1], strides = [1, 1]} : vector<8x32xf32> to vector<8x1xf32>
    %add3A_478 = vector.broadcast %slice3A_477 : vector<8x1xf32> to vector<8x128xf32>
    %add3A_479 = arith.addf %add3A_478, %dot_general3A_476 : vector<8x128xf32>
    %mul3A_480 = arith.mulf %slice3A_474, %add3A_479 : vector<8x128xf32>
    %reduce_sum3A_481 = arith.constant dense<0.000000e+00> : vector<128xf32>
    %reduce_sum3A_482 = vector.multi_reduction <add>, %mul3A_480, %reduce_sum3A_481 [0] : vector<8x128xf32> to vector<128xf32>
    %broadcast_in_dim3A_483 = vector.shape_cast %reduce_sum3A_482 : vector<128xf32> to vector<1x128xf32>
    %slice3A_484 = vector.extract_strided_slice %convert_element_type3A_23 {offsets = [0, 3328], sizes = [8, 128], strides = [1, 1]} : vector<8x4096xf32> to vector<8x128xf32>
    %dot_general3A_485 = arith.constant dense<0.000000e+00> : vector<8x128xf32>
    %dot_general3A_486 = tpu.matmul %slice3A_484, %convert_element_type3A_224, %dot_general3A_485 {dimension_numbers = #tpu.dot_dimension_numbers<[1], [0], [0], [1], [0, 0, 1, 1], [], []>, transpose_lhs_hint = false} : vector<8x128xf32>, vector<128x128xf32>, vector<8x128xf32> -> vector<8x128xf32>
    %slice3A_487 = vector.extract_strided_slice %add3A_219 {offsets = [0, 26], sizes = [8, 1], strides = [1, 1]} : vector<8x32xf32> to vector<8x1xf32>
    %add3A_488 = vector.broadcast %slice3A_487 : vector<8x1xf32> to vector<8x128xf32>
    %add3A_489 = arith.addf %add3A_488, %dot_general3A_486 : vector<8x128xf32>
    %mul3A_490 = arith.mulf %slice3A_484, %add3A_489 : vector<8x128xf32>
    %reduce_sum3A_491 = arith.constant dense<0.000000e+00> : vector<128xf32>
    %reduce_sum3A_492 = vector.multi_reduction <add>, %mul3A_490, %reduce_sum3A_491 [0] : vector<8x128xf32> to vector<128xf32>
    %broadcast_in_dim3A_493 = vector.shape_cast %reduce_sum3A_492 : vector<128xf32> to vector<1x128xf32>
    %slice3A_494 = vector.extract_strided_slice %convert_element_type3A_23 {offsets = [0, 3456], sizes = [8, 128], strides = [1, 1]} : vector<8x4096xf32> to vector<8x128xf32>
    %dot_general3A_495 = arith.constant dense<0.000000e+00> : vector<8x128xf32>
    %dot_general3A_496 = tpu.matmul %slice3A_494, %convert_element_type3A_224, %dot_general3A_495 {dimension_numbers = #tpu.dot_dimension_numbers<[1], [0], [0], [1], [0, 0, 1, 1], [], []>, transpose_lhs_hint = false} : vector<8x128xf32>, vector<128x128xf32>, vector<8x128xf32> -> vector<8x128xf32>
    %slice3A_497 = vector.extract_strided_slice %add3A_219 {offsets = [0, 27], sizes = [8, 1], strides = [1, 1]} : vector<8x32xf32> to vector<8x1xf32>
    %add3A_498 = vector.broadcast %slice3A_497 : vector<8x1xf32> to vector<8x128xf32>
    %add3A_499 = arith.addf %add3A_498, %dot_general3A_496 : vector<8x128xf32>
    %mul3A_500 = arith.mulf %slice3A_494, %add3A_499 : vector<8x128xf32>
    %reduce_sum3A_501 = arith.constant dense<0.000000e+00> : vector<128xf32>
    %reduce_sum3A_502 = vector.multi_reduction <add>, %mul3A_500, %reduce_sum3A_501 [0] : vector<8x128xf32> to vector<128xf32>
    %broadcast_in_dim3A_503 = vector.shape_cast %reduce_sum3A_502 : vector<128xf32> to vector<1x128xf32>
    %slice3A_504 = vector.extract_strided_slice %convert_element_type3A_23 {offsets = [0, 3584], sizes = [8, 128], strides = [1, 1]} : vector<8x4096xf32> to vector<8x128xf32>
    %dot_general3A_505 = arith.constant dense<0.000000e+00> : vector<8x128xf32>
    %dot_general3A_506 = tpu.matmul %slice3A_504, %convert_element_type3A_224, %dot_general3A_505 {dimension_numbers = #tpu.dot_dimension_numbers<[1], [0], [0], [1], [0, 0, 1, 1], [], []>, transpose_lhs_hint = false} : vector<8x128xf32>, vector<128x128xf32>, vector<8x128xf32> -> vector<8x128xf32>
    %slice3A_507 = vector.extract_strided_slice %add3A_219 {offsets = [0, 28], sizes = [8, 1], strides = [1, 1]} : vector<8x32xf32> to vector<8x1xf32>
    %add3A_508 = vector.broadcast %slice3A_507 : vector<8x1xf32> to vector<8x128xf32>
    %add3A_509 = arith.addf %add3A_508, %dot_general3A_506 : vector<8x128xf32>
    %mul3A_510 = arith.mulf %slice3A_504, %add3A_509 : vector<8x128xf32>
    %reduce_sum3A_511 = arith.constant dense<0.000000e+00> : vector<128xf32>
    %reduce_sum3A_512 = vector.multi_reduction <add>, %mul3A_510, %reduce_sum3A_511 [0] : vector<8x128xf32> to vector<128xf32>
    %broadcast_in_dim3A_513 = vector.shape_cast %reduce_sum3A_512 : vector<128xf32> to vector<1x128xf32>
    %slice3A_514 = vector.extract_strided_slice %convert_element_type3A_23 {offsets = [0, 3712], sizes = [8, 128], strides = [1, 1]} : vector<8x4096xf32> to vector<8x128xf32>
    %dot_general3A_515 = arith.constant dense<0.000000e+00> : vector<8x128xf32>
    %dot_general3A_516 = tpu.matmul %slice3A_514, %convert_element_type3A_224, %dot_general3A_515 {dimension_numbers = #tpu.dot_dimension_numbers<[1], [0], [0], [1], [0, 0, 1, 1], [], []>, transpose_lhs_hint = false} : vector<8x128xf32>, vector<128x128xf32>, vector<8x128xf32> -> vector<8x128xf32>
    %slice3A_517 = vector.extract_strided_slice %add3A_219 {offsets = [0, 29], sizes = [8, 1], strides = [1, 1]} : vector<8x32xf32> to vector<8x1xf32>
    %add3A_518 = vector.broadcast %slice3A_517 : vector<8x1xf32> to vector<8x128xf32>
    %add3A_519 = arith.addf %add3A_518, %dot_general3A_516 : vector<8x128xf32>
    %mul3A_520 = arith.mulf %slice3A_514, %add3A_519 : vector<8x128xf32>
    %reduce_sum3A_521 = arith.constant dense<0.000000e+00> : vector<128xf32>
    %reduce_sum3A_522 = vector.multi_reduction <add>, %mul3A_520, %reduce_sum3A_521 [0] : vector<8x128xf32> to vector<128xf32>
    %broadcast_in_dim3A_523 = vector.shape_cast %reduce_sum3A_522 : vector<128xf32> to vector<1x128xf32>
    %slice3A_524 = vector.extract_strided_slice %convert_element_type3A_23 {offsets = [0, 3840], sizes = [8, 128], strides = [1, 1]} : vector<8x4096xf32> to vector<8x128xf32>
    %dot_general3A_525 = arith.constant dense<0.000000e+00> : vector<8x128xf32>
    %dot_general3A_526 = tpu.matmul %slice3A_524, %convert_element_type3A_224, %dot_general3A_525 {dimension_numbers = #tpu.dot_dimension_numbers<[1], [0], [0], [1], [0, 0, 1, 1], [], []>, transpose_lhs_hint = false} : vector<8x128xf32>, vector<128x128xf32>, vector<8x128xf32> -> vector<8x128xf32>
    %slice3A_527 = vector.extract_strided_slice %add3A_219 {offsets = [0, 30], sizes = [8, 1], strides = [1, 1]} : vector<8x32xf32> to vector<8x1xf32>
    %add3A_528 = vector.broadcast %slice3A_527 : vector<8x1xf32> to vector<8x128xf32>
    %add3A_529 = arith.addf %add3A_528, %dot_general3A_526 : vector<8x128xf32>
    %mul3A_530 = arith.mulf %slice3A_524, %add3A_529 : vector<8x128xf32>
    %reduce_sum3A_531 = arith.constant dense<0.000000e+00> : vector<128xf32>
    %reduce_sum3A_532 = vector.multi_reduction <add>, %mul3A_530, %reduce_sum3A_531 [0] : vector<8x128xf32> to vector<128xf32>
    %broadcast_in_dim3A_533 = vector.shape_cast %reduce_sum3A_532 : vector<128xf32> to vector<1x128xf32>
    %slice3A_534 = vector.extract_strided_slice %convert_element_type3A_23 {offsets = [0, 3968], sizes = [8, 128], strides = [1, 1]} : vector<8x4096xf32> to vector<8x128xf32>
    %dot_general3A_535 = arith.constant dense<0.000000e+00> : vector<8x128xf32>
    %dot_general3A_536 = tpu.matmul %slice3A_534, %convert_element_type3A_224, %dot_general3A_535 {dimension_numbers = #tpu.dot_dimension_numbers<[1], [0], [0], [1], [0, 0, 1, 1], [], []>, transpose_lhs_hint = false} : vector<8x128xf32>, vector<128x128xf32>, vector<8x128xf32> -> vector<8x128xf32>
    %slice3A_537 = vector.extract_strided_slice %add3A_219 {offsets = [0, 31], sizes = [8, 1], strides = [1, 1]} : vector<8x32xf32> to vector<8x1xf32>
    %add3A_538 = vector.broadcast %slice3A_537 : vector<8x1xf32> to vector<8x128xf32>
    %add3A_539 = arith.addf %add3A_538, %dot_general3A_536 : vector<8x128xf32>
    %mul3A_540 = arith.mulf %slice3A_534, %add3A_539 : vector<8x128xf32>
    %reduce_sum3A_541 = arith.constant dense<0.000000e+00> : vector<128xf32>
    %reduce_sum3A_542 = vector.multi_reduction <add>, %mul3A_540, %reduce_sum3A_541 [0] : vector<8x128xf32> to vector<128xf32>
    %broadcast_in_dim3A_543 = vector.shape_cast %reduce_sum3A_542 : vector<128xf32> to vector<1x128xf32>
    %concatenate3A_544 = tpu.concatenate %broadcast_in_dim3A_233, %broadcast_in_dim3A_243, %broadcast_in_dim3A_253, %broadcast_in_dim3A_263, %broadcast_in_dim3A_273, %broadcast_in_dim3A_283, %broadcast_in_dim3A_293, %broadcast_in_dim3A_303, %broadcast_in_dim3A_313, %broadcast_in_dim3A_323, %broadcast_in_dim3A_333, %broadcast_in_dim3A_343, %broadcast_in_dim3A_353, %broadcast_in_dim3A_363, %broadcast_in_dim3A_373, %broadcast_in_dim3A_383, %broadcast_in_dim3A_393, %broadcast_in_dim3A_403, %broadcast_in_dim3A_413, %broadcast_in_dim3A_423, %broadcast_in_dim3A_433, %broadcast_in_dim3A_443, %broadcast_in_dim3A_453, %broadcast_in_dim3A_463, %broadcast_in_dim3A_473, %broadcast_in_dim3A_483, %broadcast_in_dim3A_493, %broadcast_in_dim3A_503, %broadcast_in_dim3A_513, %broadcast_in_dim3A_523, %broadcast_in_dim3A_533, %broadcast_in_dim3A_543 in 0 : vector<1x128xf32>, vector<1x128xf32>, vector<1x128xf32>, vector<1x128xf32>, vector<1x128xf32>, vector<1x128xf32>, vector<1x128xf32>, vector<1x128xf32>, vector<1x128xf32>, vector<1x128xf32>, vector<1x128xf32>, vector<1x128xf32>, vector<1x128xf32>, vector<1x128xf32>, vector<1x128xf32>, vector<1x128xf32>, vector<1x128xf32>, vector<1x128xf32>, vector<1x128xf32>, vector<1x128xf32>, vector<1x128xf32>, vector<1x128xf32>, vector<1x128xf32>, vector<1x128xf32>, vector<1x128xf32>, vector<1x128xf32>, vector<1x128xf32>, vector<1x128xf32>, vector<1x128xf32>, vector<1x128xf32>, vector<1x128xf32>, vector<1x128xf32> -> vector<32x128xf32>
    %convert_element_type3A_545 = arith.fptosi %concatenate3A_544 : vector<32x128xf32> to vector<32x128xi32>
    %swap3A_546 = arith.constant 0 : index
    %swap3A_547 = arith.constant 0 : index
    %swap3A_548 = vector.load %arg3[%swap3A_546, %swap3A_547] : memref<32x128xi32, #tpu.memory_space<vmem>>, vector<32x128xi32>
    tpu.vector_store %arg3[%swap3A_546, %swap3A_547], %convert_element_type3A_545 {strides = array<i32>} : memref<32x128xi32, #tpu.memory_space<vmem>>, vector<32x128xi32>,
    return
  }
}

</mosaic_0001>

<sc_bundles>
// kernel: kernel.6.cloned.1.call-start
scs
__scs_entry_jumppad:
0x0: {  	(pc) =	sbr.rel $0x88, $3  }
0x1: {  	(tag) =	ssettag $0x0;
	lr =	simm.s32 $0x1  }
0x2: {  	[smem:$0x3F9A] =	sst lr;
	_ =	strace $0xD0000000  }
0x3: {  	_ = 	snop  }
0x4: {  	_ = 	snop  }
0x5: {  	_ = 	snop  }
0x6: {  	_ = 	snop  }
0x7: {  	_ = 	snop  }
__scs_overlays_trampoline_lowered:
0x8: {  	[smem:$0x3FA9] =	sst s0  }
0x9: {  	[smem:$0x3FAA] =	sst s1  }
0xa: {  	[smem:$0x3FAB] =	sst s2  }
0xb: {  	[smem:$0x3FAC] =	sst s3  }
0xc: {  	[smem:$0x3FAD] =	sst s4  }
0xd: {  	[smem:$0x3FAE] =	sst s5  }
0xe: {  	[smem:$0x3FAF] =	sst s6  }
0xf: {  	[smem:$0x3FB0] =	sst s7  }
0x10: {  	[smem:$0x3FB1] =	sst s8  }
0x11: {  	[smem:$0x3FB2] =	sst s9;
	s0 =	simm.s32 @!p0 $0x0  }
0x12: {  	s1 =	sld [smem:$0x3F98];
	s0 =	simm.s32 @p0 $0x1  }
0x13: {  	[smem:$0x3FB3] =	sst s0;
	s0 =	simm.s32 @!p1 $0x0  }
0x14: {  	s2 =	sld [smem:$0x3F97];
	s0 =	simm.s32 @p1 $0x1  }
0x15: {  	[smem:$0x3FB4] =	sst s0;
	s0 =	simm.s32 @!p2 $0x0  }
0x16: {  	s3 =	sld [smem:$0x3FDB];
	s0 =	simm.s32 @p2 $0x1  }
0x17: {  	s4 =	simm.s32 $0x1BF5;
	[smem:$0x3FB6] =	sst s0  }
0x18: {  	s0 =	sld [smem:$0x3F99];
	_ =	swait.ge [sflag:s4], $0x0  }
0x19: {  	s7 =	sld [smem:$0x3F9A]  }
0x1a: {  	s8 =	sadd.s32 $0xFFFFE003, lr  }
0x1b: {  	s9 =	sadd.s32 $0xFFFFFEF7, lr;
	s5 =	simm.s32 $0xFFFFFFFF;
	p2 =	slt.u32 s8, $0xFFFFF086  }
0x1c: {  	p1 =	slt.u32 s9, $0xF7A;
	s5 =	simm.s32 @!p2 $0x0  }
0x1d: {  	s5 =	simm.s32 @p1 $0x1;
	p0 =	seq.s32 s7, s2  }
0x1e: {  	s7 =	smul.u32 @!p0 $0xF7A, s2;
	p2 =	seq.s32 @!p0 s5, $0x0  }
0x1f: {  	s9 =	smul.u32 $0xF7A, s1;
	s8 =	simm.s32 @!p0 $0x1BF5;
	p2 =	por !p2, p0  }
0x20: {  	[sflag:s8] =	ssyncset.s32 @!p0 $0xFFFFF086;
	s6 =	sadd.s32 @!p0 s3, s7;
	s7 =	simm.s32 @!p0 $0x108  }
0x21: {  	s3 =	sadd.s32 s3, s9;
	s6 =	sadd.s32 @!p0 $0x88, s6;
	s7 =	simm.s32 @p2 $0x1082  }
0x22: {  	[simem:s7], [sflag:s8] =	dma.local @!p0 [hbm:s6], $0xF7A  }
0x23: {  	s9 =	sor.u32 $0xD0000000, s2;
	s6 =	simm.s32 $0x108;
	_ =	swait.ge @!p0 [sflag:s8], $0x0  }
0x24: {  	s3 =	sadd.s32 $0x88, s3;
	s6 =	simm.s32 @!p1 $0x1082;
	[sflag:s4] =	ssyncset.s32 $0xFFFFF086  }
0x25: {  	[simem:s6], [sflag:s4] =	dma.local [hbm:s3], $0xF7A  }
0x26: {  	[smem:$0x3F9A] =	sst s1;
	(tag) =	ssettag s2;
	_ =	strace s9  }
0x27: {  	s1 =	sld [smem:$0x3FAA]  }
0x28: {  	s2 =	sld [smem:$0x3FAB]  }
0x29: {  	s4 =	sld [smem:$0x3FAD]  }
0x2a: {  	p0 =	seq.s32 s5, $0x0;
	s5 =	sld [smem:$0x3FAE]  }
0x2b: {  	s6 =	sld [smem:$0x3FAF]  }
0x2c: {  	s7 =	sld [smem:$0x3FB0]  }
0x2d: {  	s3 =	simm.s32 $0x108;
	s8 =	sld [smem:$0x3FB1]  }
0x2e: {  	s3 =	simm.s32 @!p0 $0x1082;
	s9 =	sld [smem:$0x3FB2]  }
0x2f: {  	lr =	sadd.s32 s0, s3;
	s0 =	sld [smem:$0x3FA9]  }
0x30: {  	s3 =	sld [smem:$0x3FAC]  }
0x31: {  	[smem:$0x3FB5] =	sst s10  }
0x32: {  	s10 =	sld [smem:$0x3FB3];
	_ =	sdelay $0x3  }
0x33: {  	p0 =	seq.s32 s10, $0x1;
	s10 =	sld [smem:$0x3FB5];
	_ =	sdelay $0x3  }
0x34: {  	[smem:$0x3FB5] =	sst s10  }
0x35: {  	s10 =	sld [smem:$0x3FB4];
	_ =	sdelay $0x3  }
0x36: {  	p1 =	seq.s32 s10, $0x1;
	s10 =	sld [smem:$0x3FB5];
	_ =	sdelay $0x3  }
0x37: {  	[smem:$0x3FB5] =	sst s10  }
0x38: {  	s10 =	sld [smem:$0x3FB6]  }
0x39: {  	_ = 	snop;
	(pc) =	sbr.ind lr, $3  }
0x3a: {  	_ = 	snop  }
0x3b: {  	_ = 	snop  }
0x3c: {  	p2 =	seq.s32 s10, $0x1;
	s10 =	sld [smem:$0x3FB5]  }
0x3d: {  	_ =	shalt  }
0x3e: {  	_ =	shalt  }
0x3f: {  	_ =	shalt  }
0x40: {  	_ =	shalt  }
0x41: {  	_ =	shalt  }
0x42: {  	_ =	shalt  }
0x43: {  	_ =	shalt  }
0x44: {  	_ =	shalt  }
0x45: {  	_ =	shalt  }
0x46: {  	_ =	shalt  }
0x47: {  	_ =	shalt  }
0x48: {  	_ =	shalt  }
0x49: {  	_ =	shalt  }
0x4a: {  	_ =	shalt  }
0x4b: {  	_ =	shalt  }
0x4c: {  	_ =	shalt  }
0x4d: {  	_ =	shalt  }
0x4e: {  	_ =	shalt  }
0x4f: {  	_ =	shalt  }
0x50: {  	_ =	shalt  }
0x51: {  	_ =	shalt  }
0x52: {  	_ =	shalt  }
0x53: {  	_ =	shalt  }
0x54: {  	_ =	shalt  }
0x55: {  	_ =	shalt  }
0x56: {  	_ =	shalt  }
0x57: {  	_ =	shalt  }
0x58: {  	_ =	shalt  }
0x59: {  	_ =	shalt  }
0x5a: {  	_ =	shalt  }
0x5b: {  	_ =	shalt  }
0x5c: {  	_ =	shalt  }
0x5d: {  	_ =	shalt  }
0x5e: {  	_ =	shalt  }
0x5f: {  	_ =	shalt  }
0x60: {  	_ =	shalt  }
0x61: {  	_ =	shalt  }
0x62: {  	_ =	shalt  }
0x63: {  	_ =	shalt  }
0x64: {  	_ =	shalt  }
0x65: {  	_ =	shalt  }
0x66: {  	_ =	shalt  }
0x67: {  	_ =	shalt  }
0x68: {  	_ =	shalt  }
0x69: {  	_ =	shalt  }
0x6a: {  	_ =	shalt  }
0x6b: {  	_ =	shalt  }
0x6c: {  	_ =	shalt  }
0x6d: {  	_ =	shalt  }
0x6e: {  	_ =	shalt  }
0x6f: {  	_ =	shalt  }
0x70: {  	_ =	shalt  }
0x71: {  	_ =	shalt  }
0x72: {  	_ =	shalt  }
0x73: {  	_ =	shalt  }
0x74: {  	_ =	shalt  }
0x75: {  	_ =	shalt  }
0x76: {  	_ =	shalt  }
0x77: {  	_ =	shalt  }
0x78: {  	_ =	shalt  }
0x79: {  	_ =	shalt  }
0x7a: {  	_ =	shalt  }
0x7b: {  	_ =	shalt  }
0x7c: {  	_ =	shalt  }
0x7d: {  	_ =	shalt  }
0x7e: {  	_ =	shalt  }
0x7f: {  	_ =	shalt  }
0x80: {  	_ =	shalt  }
0x81: {  	_ =	shalt  }
0x82: {  	_ =	shalt  }
0x83: {  	_ =	shalt  }
0x84: {  	_ =	shalt  }
0x85: {  	_ =	shalt  }
0x86: {  	_ =	shalt  }
0x87: {  	_ =	shalt  }
.Lfunc_end0:
.L_simem_size_0:
called_computation_lowered:
.L_overlay_start_0:
0x88: {  	s2 =	sld [smem:$0x3FD9]  }
0x89: {  	s3 =	sld [smem:$0x3FFE];
	_ =	sdelay $0x1  }
0x8a: {  	s1 =	srdreg.scid  }
0x8b: {  	s0 =	sand.u32 $0x1, s1  }
0x8c: {  	s17 =	sshll.u32 s0, $0xA;
	s2 =	sadd.s32 s3, s2  }
0x8d: {  	s2 =	sadd.s32 s2, s17  }
0x8e: {  	[smem:$0x3FC1] =	sst s2  }
0x8f: {  	_ = 	snop  }
0x90: {  	s2 =	sld [smem:$0x3FC9];
	(tm) =	ssettm $0x1  }
0x91: {  	s18 =	sld [smem:$0x3FFB];
	_ =	sdelay $0x3  }
0x92: {  	_ =	strace s18  }
0x93: {  	s3 =	sld [smem:$0x3FFC];
	_ =	sdelay $0x3  }
0x94: {  	_ =	strace s3  }
0x95: {  	s3 =	sld [smem:$0x3FFD];
	_ =	sdelay $0x3  }
0x96: {  	_ =	strace s3  }
0x97: {  	_ =	strace $0x8FFFFFFF  }
0x98: {  	s19 =	sld [smem:$0x3FDB];
	_ =	sdelay $0x1  }
0x99: {  	s4 =	simm.s32 $_scs_section_size  }
0x9a: {  	s5 =	simm.s32 $_size__tile_overlayer_lowered;
	s6 =	simm.s32 $_tile_overlayer_lowered  }
0x9b: {  	s22 =	simm.s32 $0x1BFF;
	s21 =	sshll.u32 s6, $0x1;
	s3 =	sadd.s32 s4, s19  }
0x9c: {  	s7 =	simm.s32 $0x0;
	s20 =	sshll.u32 s5, $0x1;
	s5 =	sadd.s32 s21, s3  }
0x9d: {  	[timem:s7], [sflag:s22] =	dma.local [hbm:s5], s20  }
0x9e: {  	_ =	swait.ge [sflag:s22], s20  }
0x9f: {  	s4 =	ssub.s32 $0x0, s20;
	[sflag:s22] =	ssyncset.done $0x0  }
0xa0: {  	[sflag:s22] =	ssyncadd.s32 s4;
	_ =	sdelay $0x1  }
0xa1: {  	s23 =	simm.s32 $0x1B8B  }
0xa2: {  	_ =	swait.ge [sflag:s23], $0x1  }
0xa3: {  	[sflag:s23] =	ssyncset.done $0x0  }
0xa4: {  	s25 =	simm.s32 $0x1B8E;
	s24 =	sld [smem:$0x3FFE];
	[sflag:s23] =	ssyncadd.s32 $0xFFFFFFFF  }
0xa5: {  	s26 =	simm.s32 $execute0_lowered;
	[smem:$0x3FD2] =	sst s25  }
0xa6: {  	s5 =	sshll.u32 s26, $0x1;
	_ =	strace $0x80000046;
	[dreg:$0x1] =	wrdreg $0xFFFFFFFF  }
0xa7: {  	s28 =	simm.s32 $_size_execute0_lowered;
	s3 =	sadd.s32 s3, s5;
	[dreg:$0x0] =	wrdreg $0x0  }
0xa8: {  	s5 =	sshll.u32 s28, $0x1;
	[dreg:$0x2] =	wrdreg s3  }
0xa9: {  	[dreg:$0x3] =	wrdreg s5  }
0xaa: {  	[dreg:$0x4] =	wrdreg $0xC0  }
0xab: {  	_ =	task [dreg:s7], $0x5FFFF  }
0xac: {  	[dreg:$0x1] =	wrdreg $0xFFFFFFFF  }
0xad: {  	[dreg:$0x0] =	wrdreg $0x60  }
0xae: {  	[dreg:$0x2] =	wrdreg s2  }
0xaf: {  	[dreg:$0x3] =	wrdreg s24  }
0xb0: {  	[dreg:$0x4] =	wrdreg $0x9  }
0xb1: {  	_ =	task.clear_ibuf [dreg:s7], $0x5FFFF;
	_ =	strace $0x90000046  }
0xb2: {  	s29 =	simm.s32 $0x9;
	_ =	strace $0x80000048  }
0xb3: {  	_ =	swait.ge [sflag:s29], $0x1  }
0xb4: {  	[sflag:s29] =	ssyncadd.s32 $0xFFFFFFFF  }
0xb5: {  	_ =	strace $0x90000048  }
0xb6: {  	_ =	sfence  }
0xb7: {  	s30 =	sld [smem:$0x0];
	_ =	sdelay $0x2  }
0xb8: {  	s31 =	sshll.u32 s1, $0xD;
	s1 =	sshrl.u32 s1, $0x2  }
0xb9: {  	s3 =	sand.u32 $0x4000, s31;
	s1 =	sadd.s32 s1, s30  }
0xba: {  	s0 =	sor.u32 s3, s0;
	s1 =	sshll.u32 s1, $0x11  }
0xbb: {  	s0 =	sor.u32 s1, s0  }
0xbc: {  	s0 =	sadd.s32 $0x8F2B, s0  }
0xbd: {  	[sflag:s0] =	ssyncadd.remote.s32 $0x1  }
0xbe: {  	_ =	sfence.sel $0xFFFF  }
0xbf: {  	[dreg:$0x0] =	wrdreg $0xFFFFFFFF;
	(pc) =	sbr.abs _section_cstart, $3  }
0xc0: {  	[dreg:$0x1] =	wrdreg $0xFFFFFFFF  }
0xc1: {  	_ =	task.clear_ibuf [dreg:s7], $0x2FFFF;
	_ =	strace $0x9FFFFFFF  }
0xc2: {  	(tm) =	ssettm $0x7FFFFFFF  }
0xc3: {  	_ =	shalt  }
tec
execute0_lowered:
.L_overlay_start_1:
0x0: {  	(tag) =	ssettag $0x1  }
0x1: {  	s0 =	rddreg [dreg:$0x0]  }
0x2: {  	s1 =	rddreg [dreg:$0x1];
	s3 =	srdreg.scid  }
0x3: {  	s5 =	stileid.u32;
	s2 =	simm.s32 $0x0;
	s9 =	simm.s32 $0x3  }
0x4: {  	s20 =	simm.s32 $0x2;
	s22 =	simm.s32 $0xA00;
	s28 =	simm.s32 $0x2A00  }
0x5: {  	s29 =	simm.s32 $0x3200;
	s30 =	simm.s32 $0x3A00;
	s31 =	simm.s32 $0x4200  }
0x6: {  	s10 =	simm.s32 $0x4A00;
	s11 =	simm.s32 $0x5A00;
	s12 =	simm.s32 $0x6200  }
0x7: {  	s13 =	simm.s32 $0x6A00;
	s14 =	simm.s32 $0x7200;
	s15 =	simm.s32 $0x7A00  }
0x8: {  	s16 =	simm.s32 $0x8A00;
	s17 =	simm.s32 $0x9200;
	s18 =	simm.s32 $0x9A00  }
0x9: {  	s4 =	sand.u32 $0x1, s3;
	s23 =	sshll.u32 s5, $0x1;
	[smem:$0x7FF] =	sst s2  }
0xa: {  	s19 =	simm.s32 $0xA200;
	s5 =	sor.u32 s4, s23;
	_ =	strace $0x80000047  }
0xb: {  	s4 =	ssub.s32 $0x2, s4;
	s23 =	simm.s32 $0x1200;
	s3 =	sshll.u32 s5, $0x6  }
0xc: {  	s5 =	sshll.u32 s5, $0xE;
	s24 =	sshrl.u32 s4, $0x1;
	s6 =	sadd.s32 s3, s1  }
0xd: {  	s3 =	sadd.s32 $0x2000, s1;
	s7 =	sadd.s32 s0, s5;
	s0 =	ssub.s32 s4, s24  }
0xe: {  	s4 =	simm.s32 $0x1;
	s6 =	sadd.s32 $0x1800, s6;
	[dreg:$0x7] =	wrdreg s7  }
0xf: {  	s24 =	simm.s32 $0x1A00;
	s5 =	sadd.s32 $0x1000, s7;
	[dreg:$0x3] =	wrdreg s6  }
0x10: {  	s25 =	sadd.s32 $0x2000, s7;
	s26 =	sadd.s32 $0x3000, s7;
	[dreg:$0x4] =	wrdreg s5  }
0x11: {  	v2 =	vlaneseq.u32;
	s7 =	sadd.s32 $0x2300, s1;
	s8 =	smax.u32 s0, $0x1;
	[dreg:$0x5] =	wrdreg s25  }
0x12: {  	vm0 =	vmmov $0xffff;
	v1 =	vshrl.u32 v2, $0x3;
	s5 =	sadd.s32 $0x2100, s1;
	s6 =	sadd.s32 $0x2200, s1;
	[dreg:$0x6] =	wrdreg s26  }
0x13: {  	v0 =	vand.u32 $0x7, v2;
	v2 =	vor.u32 $0x8, v2;
	v1 =	vmul.u32 $0x8, v1;
	s26 =	simm.s32 $0x200;
	s25 =	simm.s32 $0x2200;
	s1 =	simm.s32 $0x5200  }
.LBB2_1:
0x14: {  	s21 =	rddreg [dreg:$0x3]  }
0x15: {  	[tilespmem:s2], [sflag:$0x3] =	stream.linear.gather [hbm4b:s21+s2], $0x200, $0x38;
	[tilespmem:$0x10200] =	vst v63  }
0x16: {  	_ =	swait.ge [sflag:s9], $0x200  }
0x17: {  	[sflag:s9] =	ssyncset.done $0x0  }
0x18: {  	s0 =	rddreg [dreg:$0x7];
	[sflag:s9] =	ssyncadd.s32 $0xFFFFFE00  }
0x19: {  	[tilespmem:s26], [sflag:$0x3] =	stream.linear.gather [hbm4b:s0+s2], $0x8000, $0x38;
	[tilespmem:$0x10200] =	vst v63  }
0x1a: {  	_ =	swait.ge [sflag:s9], $0x8000  }
0x1b: {  	[sflag:s9] =	ssyncset.done $0x0  }
0x1c: {  	[sflag:s9] =	ssyncadd.s32 $0xFFFF8000  }
0x1d: {  	v3 =	vld [tilespmem:$0x0];
	_ =	sdelay $0x4  }
0x1e: {  	v4 =	vshll.u32 v3, $0x3  }
0x1f: {  	v3 =	vand.u32 $0x7, v3;
	v4 =	vand.u32 $0xFFFFFFC0, v4  }
0x20: {  	v3 =	vor.u32 v3, v4  }
0x21: {  	v4 =	vperm.xlane v3, v0;
	_ =	sdelay $0x1  }
0x22: {  	v4 =	vadd.s32 v1, v4;
	_ =	sdelay $0x4  }
0x23: {  	[hbm4b:s3+s2] =	stream.indirect_vreg.scatter [tilespmem:s26], [sflag:$0x1], $0x80, v4, vm0, $0xb8;
	[tilespmem:$0x10200] =	vst v63  }
0x24: {  	v3 =	vperm.xlane v3, v2  }
0x25: {  	[hbm4b:s5+s2] =	stream.indirect_vreg.scatter [tilespmem:s22], [sflag:$0x1], $0x80, v4, vm0, $0xb8;
	[tilespmem:$0x10200] =	vst v63  }
0x26: {  	v3 =	vadd.s32 v1, v3  }
0x27: {  	[hbm4b:s6+s2] =	stream.indirect_vreg.scatter [tilespmem:s23], [sflag:$0x1], $0x80, v4, vm0, $0xb8;
	[tilespmem:$0x10200] =	vst v63  }
0x28: {  	_ = 	snop  }
0x29: {  	[hbm4b:s7+s2] =	stream.indirect_vreg.scatter [tilespmem:s24], [sflag:$0x1], $0x80, v4, vm0, $0xb8;
	[tilespmem:$0x10200] =	vst v63  }
0x2a: {  	_ = 	snop  }
0x2b: {  	[hbm4b:s3+s2] =	stream.indirect_vreg.scatter [tilespmem:s25], [sflag:$0x1], $0x80, v3, vm0, $0xb8;
	[tilespmem:$0x10200] =	vst v63  }
0x2c: {  	_ = 	snop  }
0x2d: {  	[hbm4b:s5+s2] =	stream.indirect_vreg.scatter [tilespmem:s28], [sflag:$0x1], $0x80, v3, vm0, $0xb8;
	[tilespmem:$0x10200] =	vst v63  }
0x2e: {  	_ = 	snop  }
0x2f: {  	[hbm4b:s6+s2] =	stream.indirect_vreg.scatter [tilespmem:s29], [sflag:$0x1], $0x80, v3, vm0, $0xb8;
	[tilespmem:$0x10200] =	vst v63  }
0x30: {  	_ = 	snop  }
0x31: {  	[hbm4b:s7+s2] =	stream.indirect_vreg.scatter [tilespmem:s30], [sflag:$0x1], $0x80, v3, vm0, $0xb8;
	[tilespmem:$0x10200] =	vst v63  }
0x32: {  	v3 =	vld [tilespmem:$0x10];
	_ =	sdelay $0x4  }
0x33: {  	v57 =	vshll.u32 v3, $0x3  }
0x34: {  	v3 =	vand.u32 $0x7, v3;
	v4 =	vand.u32 $0xFFFFFFC0, v57  }
0x35: {  	v3 =	vor.u32 v3, v4  }
0x36: {  	v4 =	vperm.xlane v3, v0;
	_ =	sdelay $0x1  }
0x37: {  	v4 =	vadd.s32 v1, v4;
	_ =	sdelay $0x4  }
0x38: {  	[hbm4b:s3+s2] =	stream.indirect_vreg.scatter [tilespmem:s31], [sflag:$0x1], $0x80, v4, vm0, $0xb8;
	[tilespmem:$0x10200] =	vst v63  }
0x39: {  	v3 =	vperm.xlane v3, v2  }
0x3a: {  	[hbm4b:s5+s2] =	stream.indirect_vreg.scatter [tilespmem:s10], [sflag:$0x1], $0x80, v4, vm0, $0xb8;
	[tilespmem:$0x10200] =	vst v63  }
0x3b: {  	v3 =	vadd.s32 v1, v3  }
0x3c: {  	[hbm4b:s6+s2] =	stream.indirect_vreg.scatter [tilespmem:s1], [sflag:$0x1], $0x80, v4, vm0, $0xb8;
	[tilespmem:$0x10200] =	vst v63  }
0x3d: {  	_ = 	snop  }
0x3e: {  	[hbm4b:s7+s2] =	stream.indirect_vreg.scatter [tilespmem:s11], [sflag:$0x1], $0x80, v4, vm0, $0xb8;
	[tilespmem:$0x10200] =	vst v63  }
0x3f: {  	_ = 	snop  }
0x40: {  	[hbm4b:s3+s2] =	stream.indirect_vreg.scatter [tilespmem:s12], [sflag:$0x1], $0x80, v3, vm0, $0xb8;
	[tilespmem:$0x10200] =	vst v63  }
0x41: {  	_ = 	snop  }
0x42: {  	[hbm4b:s5+s2] =	stream.indirect_vreg.scatter [tilespmem:s13], [sflag:$0x1], $0x80, v3, vm0, $0xb8;
	[tilespmem:$0x10200] =	vst v63  }
0x43: {  	_ = 	snop  }
0x44: {  	[hbm4b:s6+s2] =	stream.indirect_vreg.scatter [tilespmem:s14], [sflag:$0x1], $0x80, v3, vm0, $0xb8;
	[tilespmem:$0x10200] =	vst v63  }
0x45: {  	_ = 	snop  }
0x46: {  	[hbm4b:s7+s2] =	stream.indirect_vreg.scatter [tilespmem:s15], [sflag:$0x1], $0x80, v3, vm0, $0xb8;
	[tilespmem:$0x10200] =	vst v63  }
0x47: {  	s0 =	simm.s32 $0x8200;
	s21 =	rddreg [dreg:$0x4]  }
0x48: {  	[tilespmem:s0], [sflag:$0x3] =	stream.linear.gather [hbm4b:s21+s2], $0x8000, $0x38;
	[tilespmem:$0x10200] =	vst v63  }
0x49: {  	_ =	swait.ge [sflag:s9], $0x8000  }
0x4a: {  	[sflag:s9] =	ssyncset.done $0x0  }
0x4b: {  	[sflag:s9] =	ssyncadd.s32 $0xFFFF8000  }
0x4c: {  	v3 =	vld [tilespmem:$0x80];
	_ =	sdelay $0x4  }
0x4d: {  	v58 =	vshll.u32 v3, $0x3  }
0x4e: {  	v3 =	vand.u32 $0x7, v3;
	v4 =	vand.u32 $0xFFFFFFC0, v58  }
0x4f: {  	v3 =	vor.u32 v3, v4  }
0x50: {  	v4 =	vperm.xlane v3, v0;
	_ =	sdelay $0x1  }
0x51: {  	v4 =	vadd.s32 v1, v4;
	_ =	sdelay $0x4  }
0x52: {  	[hbm4b:s3+s2] =	stream.indirect_vreg.scatter [tilespmem:s0], [sflag:$0x2], $0x80, v4, vm0, $0xb8;
	[tilespmem:$0x10200] =	vst v63  }
0x53: {  	v3 =	vperm.xlane v3, v2  }
0x54: {  	[hbm4b:s5+s2] =	stream.indirect_vreg.scatter [tilespmem:s16], [sflag:$0x2], $0x80, v4, vm0, $0xb8;
	[tilespmem:$0x10200] =	vst v63  }
0x55: {  	v3 =	vadd.s32 v1, v3  }
0x56: {  	[hbm4b:s6+s2] =	stream.indirect_vreg.scatter [tilespmem:s17], [sflag:$0x2], $0x80, v4, vm0, $0xb8;
	[tilespmem:$0x10200] =	vst v63  }
0x57: {  	_ = 	snop  }
0x58: {  	[hbm4b:s7+s2] =	stream.indirect_vreg.scatter [tilespmem:s18], [sflag:$0x2], $0x80, v4, vm0, $0xb8;
	[tilespmem:$0x10200] =	vst v63  }
0x59: {  	_ = 	snop  }
0x5a: {  	[hbm4b:s3+s2] =	stream.indirect_vreg.scatter [tilespmem:s19], [sflag:$0x2], $0x80, v3, vm0, $0xb8;
	[tilespmem:$0x10200] =	vst v63  }
0x5b: {  	s21 =	simm.s32 $0xAA00  }
0x5c: {  	[hbm4b:s5+s2] =	stream.indirect_vreg.scatter [tilespmem:s21], [sflag:$0x2], $0x80, v3, vm0, $0xb8;
	[tilespmem:$0x10200] =	vst v63  }
0x5d: {  	s21 =	simm.s32 $0xB200  }
0x5e: {  	[hbm4b:s6+s2] =	stream.indirect_vreg.scatter [tilespmem:s21], [sflag:$0x2], $0x80, v3, vm0, $0xb8;
	[tilespmem:$0x10200] =	vst v63  }
0x5f: {  	s21 =	simm.s32 $0xBA00  }
0x60: {  	[hbm4b:s7+s2] =	stream.indirect_vreg.scatter [tilespmem:s21], [sflag:$0x2], $0x80, v3, vm0, $0xb8;
	[tilespmem:$0x10200] =	vst v63  }
0x61: {  	v3 =	vld [tilespmem:$0x90];
	_ =	sdelay $0x4  }
0x62: {  	v59 =	vshll.u32 v3, $0x3  }
0x63: {  	v3 =	vand.u32 $0x7, v3;
	v4 =	vand.u32 $0xFFFFFFC0, v59  }
0x64: {  	v3 =	vor.u32 v3, v4  }
0x65: {  	v4 =	vperm.xlane v3, v0;
	_ =	sdelay $0x1  }
0x66: {  	v4 =	vadd.s32 v1, v4;
	_ =	sdelay $0x3  }
0x67: {  	s21 =	simm.s32 $0xC200  }
0x68: {  	[hbm4b:s3+s2] =	stream.indirect_vreg.scatter [tilespmem:s21], [sflag:$0x2], $0x80, v4, vm0, $0xb8;
	[tilespmem:$0x10200] =	vst v63  }
0x69: {  	v3 =	vperm.xlane v3, v2;
	s21 =	simm.s32 $0xCA00  }
0x6a: {  	[hbm4b:s5+s2] =	stream.indirect_vreg.scatter [tilespmem:s21], [sflag:$0x2], $0x80, v4, vm0, $0xb8;
	[tilespmem:$0x10200] =	vst v63  }
0x6b: {  	v3 =	vadd.s32 v1, v3;
	s21 =	simm.s32 $0xD200  }
0x6c: {  	[hbm4b:s6+s2] =	stream.indirect_vreg.scatter [tilespmem:s21], [sflag:$0x2], $0x80, v4, vm0, $0xb8;
	[tilespmem:$0x10200] =	vst v63  }
0x6d: {  	s21 =	simm.s32 $0xDA00  }
0x6e: {  	[hbm4b:s7+s2] =	stream.indirect_vreg.scatter [tilespmem:s21], [sflag:$0x2], $0x80, v4, vm0, $0xb8;
	[tilespmem:$0x10200] =	vst v63  }
0x6f: {  	s21 =	simm.s32 $0xE200  }
0x70: {  	[hbm4b:s3+s2] =	stream.indirect_vreg.scatter [tilespmem:s21], [sflag:$0x2], $0x80, v3, vm0, $0xb8;
	[tilespmem:$0x10200] =	vst v63  }
0x71: {  	s21 =	simm.s32 $0xEA00  }
0x72: {  	[hbm4b:s5+s2] =	stream.indirect_vreg.scatter [tilespmem:s21], [sflag:$0x2], $0x80, v3, vm0, $0xb8;
	[tilespmem:$0x10200] =	vst v63  }
0x73: {  	s21 =	simm.s32 $0xF200  }
0x74: {  	[hbm4b:s6+s2] =	stream.indirect_vreg.scatter [tilespmem:s21], [sflag:$0x2], $0x80, v3, vm0, $0xb8;
	[tilespmem:$0x10200] =	vst v63  }
0x75: {  	s21 =	simm.s32 $0xFA00  }
0x76: {  	[hbm4b:s7+s2] =	stream.indirect_vreg.scatter [tilespmem:s21], [sflag:$0x2], $0x80, v3, vm0, $0xb8;
	[tilespmem:$0x10200] =	vst v63  }
0x77: {  	_ =	swait.ge [sflag:s4], $0x8000  }
0x78: {  	[sflag:s4] =	ssyncset.done $0x0  }
0x79: {  	s21 =	rddreg [dreg:$0x5];
	[sflag:s4] =	ssyncadd.s32 $0xFFFF8000  }
0x7a: {  	[tilespmem:s26], [sflag:$0x3] =	stream.linear.gather [hbm4b:s21+s2], $0x8000, $0x38;
	[tilespmem:$0x10200] =	vst v63  }
0x7b: {  	_ =	swait.ge [sflag:s9], $0x8000  }
0x7c: {  	[sflag:s9] =	ssyncset.done $0x0  }
0x7d: {  	[sflag:s9] =	ssyncadd.s32 $0xFFFF8000  }
0x7e: {  	v3 =	vld [tilespmem:$0x100];
	_ =	sdelay $0x4  }
0x7f: {  	v60 =	vshll.u32 v3, $0x3  }
0x80: {  	v3 =	vand.u32 $0x7, v3;
	v4 =	vand.u32 $0xFFFFFFC0, v60  }
0x81: {  	v3 =	vor.u32 v3, v4  }
0x82: {  	v4 =	vperm.xlane v3, v0;
	_ =	sdelay $0x1  }
0x83: {  	v4 =	vadd.s32 v1, v4;
	_ =	sdelay $0x4  }
0x84: {  	[hbm4b:s3+s2] =	stream.indirect_vreg.scatter [tilespmem:s26], [sflag:$0x1], $0x80, v4, vm0, $0xb8;
	[tilespmem:$0x10200] =	vst v63  }
0x85: {  	v3 =	vperm.xlane v3, v2  }
0x86: {  	[hbm4b:s5+s2] =	stream.indirect_vreg.scatter [tilespmem:s22], [sflag:$0x1], $0x80, v4, vm0, $0xb8;
	[tilespmem:$0x10200] =	vst v63  }
0x87: {  	v3 =	vadd.s32 v1, v3  }
0x88: {  	[hbm4b:s6+s2] =	stream.indirect_vreg.scatter [tilespmem:s23], [sflag:$0x1], $0x80, v4, vm0, $0xb8;
	[tilespmem:$0x10200] =	vst v63  }
0x89: {  	_ = 	snop  }
0x8a: {  	[hbm4b:s7+s2] =	stream.indirect_vreg.scatter [tilespmem:s24], [sflag:$0x1], $0x80, v4, vm0, $0xb8;
	[tilespmem:$0x10200] =	vst v63  }
0x8b: {  	_ = 	snop  }
0x8c: {  	[hbm4b:s3+s2] =	stream.indirect_vreg.scatter [tilespmem:s25], [sflag:$0x1], $0x80, v3, vm0, $0xb8;
	[tilespmem:$0x10200] =	vst v63  }
0x8d: {  	_ = 	snop  }
0x8e: {  	[hbm4b:s5+s2] =	stream.indirect_vreg.scatter [tilespmem:s28], [sflag:$0x1], $0x80, v3, vm0, $0xb8;
	[tilespmem:$0x10200] =	vst v63  }
0x8f: {  	_ = 	snop  }
0x90: {  	[hbm4b:s6+s2] =	stream.indirect_vreg.scatter [tilespmem:s29], [sflag:$0x1], $0x80, v3, vm0, $0xb8;
	[tilespmem:$0x10200] =	vst v63  }
0x91: {  	_ = 	snop  }
0x92: {  	[hbm4b:s7+s2] =	stream.indirect_vreg.scatter [tilespmem:s30], [sflag:$0x1], $0x80, v3, vm0, $0xb8;
	[tilespmem:$0x10200] =	vst v63  }
0x93: {  	v3 =	vld [tilespmem:$0x110];
	_ =	sdelay $0x4  }
0x94: {  	v61 =	vshll.u32 v3, $0x3  }
0x95: {  	v3 =	vand.u32 $0x7, v3;
	v4 =	vand.u32 $0xFFFFFFC0, v61  }
0x96: {  	v3 =	vor.u32 v3, v4  }
0x97: {  	v4 =	vperm.xlane v3, v0;
	_ =	sdelay $0x1  }
0x98: {  	v4 =	vadd.s32 v1, v4;
	_ =	sdelay $0x4  }
0x99: {  	[hbm4b:s3+s2] =	stream.indirect_vreg.scatter [tilespmem:s31], [sflag:$0x1], $0x80, v4, vm0, $0xb8;
	[tilespmem:$0x10200] =	vst v63  }
0x9a: {  	v3 =	vperm.xlane v3, v2  }
0x9b: {  	[hbm4b:s5+s2] =	stream.indirect_vreg.scatter [tilespmem:s10], [sflag:$0x1], $0x80, v4, vm0, $0xb8;
	[tilespmem:$0x10200] =	vst v63  }
0x9c: {  	v3 =	vadd.s32 v1, v3  }
0x9d: {  	[hbm4b:s6+s2] =	stream.indirect_vreg.scatter [tilespmem:s1], [sflag:$0x1], $0x80, v4, vm0, $0xb8;
	[tilespmem:$0x10200] =	vst v63  }
0x9e: {  	_ = 	snop  }
0x9f: {  	[hbm4b:s7+s2] =	stream.indirect_vreg.scatter [tilespmem:s11], [sflag:$0x1], $0x80, v4, vm0, $0xb8;
	[tilespmem:$0x10200] =	vst v63  }
0xa0: {  	_ = 	snop  }
0xa1: {  	[hbm4b:s3+s2] =	stream.indirect_vreg.scatter [tilespmem:s12], [sflag:$0x1], $0x80, v3, vm0, $0xb8;
	[tilespmem:$0x10200] =	vst v63  }
0xa2: {  	_ = 	snop  }
0xa3: {  	[hbm4b:s5+s2] =	stream.indirect_vreg.scatter [tilespmem:s13], [sflag:$0x1], $0x80, v3, vm0, $0xb8;
	[tilespmem:$0x10200] =	vst v63  }
0xa4: {  	_ = 	snop  }
0xa5: {  	[hbm4b:s6+s2] =	stream.indirect_vreg.scatter [tilespmem:s14], [sflag:$0x1], $0x80, v3, vm0, $0xb8;
	[tilespmem:$0x10200] =	vst v63  }
0xa6: {  	_ = 	snop  }
0xa7: {  	[hbm4b:s7+s2] =	stream.indirect_vreg.scatter [tilespmem:s15], [sflag:$0x1], $0x80, v3, vm0, $0xb8;
	[tilespmem:$0x10200] =	vst v63  }
0xa8: {  	_ =	swait.ge [sflag:s20], $0x8000  }
0xa9: {  	[sflag:s20] =	ssyncset.done $0x0  }
0xaa: {  	s21 =	rddreg [dreg:$0x6];
	[sflag:s20] =	ssyncadd.s32 $0xFFFF8000  }
0xab: {  	[tilespmem:s0], [sflag:$0x3] =	stream.linear.gather [hbm4b:s21+s2], $0x8000, $0x38;
	[tilespmem:$0x10200] =	vst v63  }
0xac: {  	_ =	swait.ge [sflag:s9], $0x8000  }
0xad: {  	[sflag:s9] =	ssyncset.done $0x0  }
0xae: {  	[sflag:s9] =	ssyncadd.s32 $0xFFFF8000  }
0xaf: {  	v3 =	vld [tilespmem:$0x180];
	_ =	sdelay $0x4  }
0xb0: {  	v62 =	vshll.u32 v3, $0x3  }
0xb1: {  	v3 =	vand.u32 $0x7, v3;
	v4 =	vand.u32 $0xFFFFFFC0, v62  }
0xb2: {  	v3 =	vor.u32 v3, v4  }
0xb3: {  	v4 =	vperm.xlane v3, v0;
	_ =	sdelay $0x1  }
0xb4: {  	v4 =	vadd.s32 v1, v4;
	_ =	sdelay $0x4  }
0xb5: {  	[hbm4b:s3+s2] =	stream.indirect_vreg.scatter [tilespmem:s0], [sflag:$0x2], $0x80, v4, vm0, $0xb8;
	[tilespmem:$0x10200] =	vst v63  }
0xb6: {  	v3 =	vperm.xlane v3, v2  }
0xb7: {  	[hbm4b:s5+s2] =	stream.indirect_vreg.scatter [tilespmem:s16], [sflag:$0x2], $0x80, v4, vm0, $0xb8;
	[tilespmem:$0x10200] =	vst v63  }
0xb8: {  	v3 =	vadd.s32 v1, v3  }
0xb9: {  	[hbm4b:s6+s2] =	stream.indirect_vreg.scatter [tilespmem:s17], [sflag:$0x2], $0x80, v4, vm0, $0xb8;
	[tilespmem:$0x10200] =	vst v63  }
0xba: {  	_ = 	snop  }
0xbb: {  	[hbm4b:s7+s2] =	stream.indirect_vreg.scatter [tilespmem:s18], [sflag:$0x2], $0x80, v4, vm0, $0xb8;
	[tilespmem:$0x10200] =	vst v63  }
0xbc: {  	_ = 	snop  }
0xbd: {  	[hbm4b:s3+s2] =	stream.indirect_vreg.scatter [tilespmem:s19], [sflag:$0x2], $0x80, v3, vm0, $0xb8;
	[tilespmem:$0x10200] =	vst v63  }
0xbe: {  	s21 =	simm.s32 $0xAA00  }
0xbf: {  	[hbm4b:s5+s2] =	stream.indirect_vreg.scatter [tilespmem:s21], [sflag:$0x2], $0x80, v3, vm0, $0xb8;
	[tilespmem:$0x10200] =	vst v63  }
0xc0: {  	s21 =	simm.s32 $0xB200  }
0xc1: {  	[hbm4b:s6+s2] =	stream.indirect_vreg.scatter [tilespmem:s21], [sflag:$0x2], $0x80, v3, vm0, $0xb8;
	[tilespmem:$0x10200] =	vst v63  }
0xc2: {  	s21 =	simm.s32 $0xBA00  }
0xc3: {  	[hbm4b:s7+s2] =	stream.indirect_vreg.scatter [tilespmem:s21], [sflag:$0x2], $0x80, v3, vm0, $0xb8;
	[tilespmem:$0x10200] =	vst v63  }
0xc4: {  	v3 =	vld [tilespmem:$0x190];
	_ =	sdelay $0x4  }
0xc5: {  	v63 =	vshll.u32 v3, $0x3  }
0xc6: {  	v3 =	vand.u32 $0x7, v3;
	v4 =	vand.u32 $0xFFFFFFC0, v63  }
0xc7: {  	v3 =	vor.u32 v3, v4  }
0xc8: {  	v4 =	vperm.xlane v3, v0;
	_ =	sdelay $0x1  }
0xc9: {  	v4 =	vadd.s32 v1, v4;
	_ =	sdelay $0x3  }
0xca: {  	s21 =	simm.s32 $0xC200  }
0xcb: {  	[hbm4b:s3+s2] =	stream.indirect_vreg.scatter [tilespmem:s21], [sflag:$0x2], $0x80, v4, vm0, $0xb8;
	[tilespmem:$0x10200] =	vst v63  }
0xcc: {  	v3 =	vperm.xlane v3, v2;
	s21 =	simm.s32 $0xCA00  }
0xcd: {  	[hbm4b:s5+s2] =	stream.indirect_vreg.scatter [tilespmem:s21], [sflag:$0x2], $0x80, v4, vm0, $0xb8;
	[tilespmem:$0x10200] =	vst v63  }
0xce: {  	v3 =	vadd.s32 v1, v3;
	s21 =	simm.s32 $0xD200  }
0xcf: {  	[hbm4b:s6+s2] =	stream.indirect_vreg.scatter [tilespmem:s21], [sflag:$0x2], $0x80, v4, vm0, $0xb8;
	[tilespmem:$0x10200] =	vst v63  }
0xd0: {  	s21 =	simm.s32 $0xDA00  }
0xd1: {  	[hbm4b:s7+s2] =	stream.indirect_vreg.scatter [tilespmem:s21], [sflag:$0x2], $0x80, v4, vm0, $0xb8;
	[tilespmem:$0x10200] =	vst v63  }
0xd2: {  	s21 =	simm.s32 $0xE200  }
0xd3: {  	[hbm4b:s3+s2] =	stream.indirect_vreg.scatter [tilespmem:s21], [sflag:$0x2], $0x80, v3, vm0, $0xb8;
	[tilespmem:$0x10200] =	vst v63  }
0xd4: {  	s21 =	simm.s32 $0xEA00  }
0xd5: {  	[hbm4b:s5+s2] =	stream.indirect_vreg.scatter [tilespmem:s21], [sflag:$0x2], $0x80, v3, vm0, $0xb8;
	[tilespmem:$0x10200] =	vst v63  }
0xd6: {  	s21 =	simm.s32 $0xF200  }
0xd7: {  	[hbm4b:s6+s2] =	stream.indirect_vreg.scatter [tilespmem:s21], [sflag:$0x2], $0x80, v3, vm0, $0xb8;
	[tilespmem:$0x10200] =	vst v63  }
0xd8: {  	s21 =	simm.s32 $0xFA00  }
0xd9: {  	[hbm4b:s7+s2] =	stream.indirect_vreg.scatter [tilespmem:s21], [sflag:$0x2], $0x80, v3, vm0, $0xb8;
	[tilespmem:$0x10200] =	vst v63  }
0xda: {  	p0 =	sne.s32 s8, $0x1;
	_ =	swait.ge [sflag:s4], $0x8000  }
.Ltmp0:
0xdb: {  	[sflag:s4] =	ssyncset.done $0x0;
	(pc) =	sbr.rel @p0 .LBB2_1-.Ltmp0, $4  }
0xdc: {  	[sflag:s4] =	ssyncadd.s32 $0xFFFF8000  }
0xdd: {  	_ =	swait.ge [sflag:s20], $0x8000  }
0xde: {  	[sflag:s20] =	ssyncset.done $0x0  }
0xdf: {  	s8 =	sadd.s32 $0xFFFFFFFF, s8;
	[sflag:s20] =	ssyncadd.s32 $0xFFFF8000  }
0xe0: {  	_ =	sfence.sel $0x180000  }
0xe1: {  	[bflag:$0x0] =	sbarrier.arrive $0xFFFF  }
0xe2: {  	_ =	strace $0x90000047  }
0xe3: {  	s0 =	stileid.u32;
	[bflag:$0x2] =	sbarrier.arrive $0xFFFF  }
0xe4: {  	p0 =	sne.s32 s0, $0x0;
	s0 =	rddreg [dreg:$0x2]  }
0xe5: {  	s0 =	sadd.s32 @!p0 $0x100000, s0  }
0xe6: {  	[sflag:s0] =	ssyncadd.tile.s32 @!p0 $0x1;
	_ =	shalt  }
.Lfunc_end2:
_tile_overlayer_lowered:
.L_overlay_start_2:
0xe7: {  	(tag) =	ssettag $0x2  }
0xe8: {  	s0 =	rddreg [dreg:$0x0];
	s2 =	stileid.u32  }
0xe9: {  	s1 =	rddreg [dreg:$0x1];
	p0 =	sne.s32 s2, $0x0  }
0xea: {  	s3 =	rddreg [dreg:$0x2];
	[bflag:$0x3] =	sbarrier.arrive $0xFFFF;
	s2 =	simm.s32 @!p0 $0x1C03  }
0xeb: {  	[timem:s3], [sflag:s2] =	dma.local @!p0 [hbm:s0], s1  }
0xec: {  	s0 =	simm.s32 @!p0 $0x3  }
0xed: {  	_ =	swait.ge @!p0 [sflag:s0], s1  }
0xee: {  	s1 =	ssub.s32 @!p0 $0x0, s1;
	[sflag:s0] =	ssyncset.done @!p0 $0x0  }
0xef: {  	[sflag:s0] =	ssyncadd.s32 @!p0 s1  }
0xf0: {  	[bflag:$0x3] =	sbarrier.arrive $0xFFFF  }
0xf1: {  	_ =	shalt  }

// kernel: kernel.9.cloned.1.call-start
scs
__scs_entry_jumppad:
0x0: {  	(pc) =	sbr.rel $0x88, $3  }
0x1: {  	(tag) =	ssettag $0x0;
	lr =	simm.s32 $0x1  }
0x2: {  	[smem:$0x3F9A] =	sst lr;
	_ =	strace $0xD0000000  }
0x3: {  	_ = 	snop  }
0x4: {  	_ = 	snop  }
0x5: {  	_ = 	snop  }
0x6: {  	_ = 	snop  }
0x7: {  	_ = 	snop  }
__scs_overlays_trampoline_lowered:
0x8: {  	[smem:$0x3FA9] =	sst s0  }
0x9: {  	[smem:$0x3FAA] =	sst s1  }
0xa: {  	[smem:$0x3FAB] =	sst s2  }
0xb: {  	[smem:$0x3FAC] =	sst s3  }
0xc: {  	[smem:$0x3FAD] =	sst s4  }
0xd: {  	[smem:$0x3FAE] =	sst s5  }
0xe: {  	[smem:$0x3FAF] =	sst s6  }
0xf: {  	[smem:$0x3FB0] =	sst s7  }
0x10: {  	[smem:$0x3FB1] =	sst s8  }
0x11: {  	[smem:$0x3FB2] =	sst s9;
	s0 =	simm.s32 @!p0 $0x0  }
0x12: {  	s1 =	sld [smem:$0x3F98];
	s0 =	simm.s32 @p0 $0x1  }
0x13: {  	[smem:$0x3FB3] =	sst s0;
	s0 =	simm.s32 @!p1 $0x0  }
0x14: {  	s2 =	sld [smem:$0x3F97];
	s0 =	simm.s32 @p1 $0x1  }
0x15: {  	[smem:$0x3FB4] =	sst s0;
	s0 =	simm.s32 @!p2 $0x0  }
0x16: {  	s3 =	sld [smem:$0x3FDB];
	s0 =	simm.s32 @p2 $0x1  }
0x17: {  	s4 =	simm.s32 $0x1BF5;
	[smem:$0x3FB6] =	sst s0  }
0x18: {  	s0 =	sld [smem:$0x3F99];
	_ =	swait.ge [sflag:s4], $0x0  }
0x19: {  	s7 =	sld [smem:$0x3F9A]  }
0x1a: {  	s8 =	sadd.s32 $0xFFFFE003, lr  }
0x1b: {  	s9 =	sadd.s32 $0xFFFFFEF7, lr;
	s5 =	simm.s32 $0xFFFFFFFF;
	p2 =	slt.u32 s8, $0xFFFFF086  }
0x1c: {  	p1 =	slt.u32 s9, $0xF7A;
	s5 =	simm.s32 @!p2 $0x0  }
0x1d: {  	s5 =	simm.s32 @p1 $0x1;
	p0 =	seq.s32 s7, s2  }
0x1e: {  	s7 =	smul.u32 @!p0 $0xF7A, s2;
	p2 =	seq.s32 @!p0 s5, $0x0  }
0x1f: {  	s9 =	smul.u32 $0xF7A, s1;
	s8 =	simm.s32 @!p0 $0x1BF5;
	p2 =	por !p2, p0  }
0x20: {  	[sflag:s8] =	ssyncset.s32 @!p0 $0xFFFFF086;
	s6 =	sadd.s32 @!p0 s3, s7;
	s7 =	simm.s32 @!p0 $0x108  }
0x21: {  	s3 =	sadd.s32 s3, s9;
	s6 =	sadd.s32 @!p0 $0x88, s6;
	s7 =	simm.s32 @p2 $0x1082  }
0x22: {  	[simem:s7], [sflag:s8] =	dma.local @!p0 [hbm:s6], $0xF7A  }
0x23: {  	s9 =	sor.u32 $0xD0000000, s2;
	s6 =	simm.s32 $0x108;
	_ =	swait.ge @!p0 [sflag:s8], $0x0  }
0x24: {  	s3 =	sadd.s32 $0x88, s3;
	s6 =	simm.s32 @!p1 $0x1082;
	[sflag:s4] =	ssyncset.s32 $0xFFFFF086  }
0x25: {  	[simem:s6], [sflag:s4] =	dma.local [hbm:s3], $0xF7A  }
0x26: {  	[smem:$0x3F9A] =	sst s1;
	(tag) =	ssettag s2;
	_ =	strace s9  }
0x27: {  	s1 =	sld [smem:$0x3FAA]  }
0x28: {  	s2 =	sld [smem:$0x3FAB]  }
0x29: {  	s4 =	sld [smem:$0x3FAD]  }
0x2a: {  	p0 =	seq.s32 s5, $0x0;
	s5 =	sld [smem:$0x3FAE]  }
0x2b: {  	s6 =	sld [smem:$0x3FAF]  }
0x2c: {  	s7 =	sld [smem:$0x3FB0]  }
0x2d: {  	s3 =	simm.s32 $0x108;
	s8 =	sld [smem:$0x3FB1]  }
0x2e: {  	s3 =	simm.s32 @!p0 $0x1082;
	s9 =	sld [smem:$0x3FB2]  }
0x2f: {  	lr =	sadd.s32 s0, s3;
	s0 =	sld [smem:$0x3FA9]  }
0x30: {  	s3 =	sld [smem:$0x3FAC]  }
0x31: {  	[smem:$0x3FB5] =	sst s10  }
0x32: {  	s10 =	sld [smem:$0x3FB3];
	_ =	sdelay $0x3  }
0x33: {  	p0 =	seq.s32 s10, $0x1;
	s10 =	sld [smem:$0x3FB5];
	_ =	sdelay $0x3  }
0x34: {  	[smem:$0x3FB5] =	sst s10  }
0x35: {  	s10 =	sld [smem:$0x3FB4];
	_ =	sdelay $0x3  }
0x36: {  	p1 =	seq.s32 s10, $0x1;
	s10 =	sld [smem:$0x3FB5];
	_ =	sdelay $0x3  }
0x37: {  	[smem:$0x3FB5] =	sst s10  }
0x38: {  	s10 =	sld [smem:$0x3FB6]  }
0x39: {  	_ = 	snop;
	(pc) =	sbr.ind lr, $3  }
0x3a: {  	_ = 	snop  }
0x3b: {  	_ = 	snop  }
0x3c: {  	p2 =	seq.s32 s10, $0x1;
	s10 =	sld [smem:$0x3FB5]  }
0x3d: {  	_ =	shalt  }
0x3e: {  	_ =	shalt  }
0x3f: {  	_ =	shalt  }
0x40: {  	_ =	shalt  }
0x41: {  	_ =	shalt  }
0x42: {  	_ =	shalt  }
0x43: {  	_ =	shalt  }
0x44: {  	_ =	shalt  }
0x45: {  	_ =	shalt  }
0x46: {  	_ =	shalt  }
0x47: {  	_ =	shalt  }
0x48: {  	_ =	shalt  }
0x49: {  	_ =	shalt  }
0x4a: {  	_ =	shalt  }
0x4b: {  	_ =	shalt  }
0x4c: {  	_ =	shalt  }
0x4d: {  	_ =	shalt  }
0x4e: {  	_ =	shalt  }
0x4f: {  	_ =	shalt  }
0x50: {  	_ =	shalt  }
0x51: {  	_ =	shalt  }
0x52: {  	_ =	shalt  }
0x53: {  	_ =	shalt  }
0x54: {  	_ =	shalt  }
0x55: {  	_ =	shalt  }
0x56: {  	_ =	shalt  }
0x57: {  	_ =	shalt  }
0x58: {  	_ =	shalt  }
0x59: {  	_ =	shalt  }
0x5a: {  	_ =	shalt  }
0x5b: {  	_ =	shalt  }
0x5c: {  	_ =	shalt  }
0x5d: {  	_ =	shalt  }
0x5e: {  	_ =	shalt  }
0x5f: {  	_ =	shalt  }
0x60: {  	_ =	shalt  }
0x61: {  	_ =	shalt  }
0x62: {  	_ =	shalt  }
0x63: {  	_ =	shalt  }
0x64: {  	_ =	shalt  }
0x65: {  	_ =	shalt  }
0x66: {  	_ =	shalt  }
0x67: {  	_ =	shalt  }
0x68: {  	_ =	shalt  }
0x69: {  	_ =	shalt  }
0x6a: {  	_ =	shalt  }
0x6b: {  	_ =	shalt  }
0x6c: {  	_ =	shalt  }
0x6d: {  	_ =	shalt  }
0x6e: {  	_ =	shalt  }
0x6f: {  	_ =	shalt  }
0x70: {  	_ =	shalt  }
0x71: {  	_ =	shalt  }
0x72: {  	_ =	shalt  }
0x73: {  	_ =	shalt  }
0x74: {  	_ =	shalt  }
0x75: {  	_ =	shalt  }
0x76: {  	_ =	shalt  }
0x77: {  	_ =	shalt  }
0x78: {  	_ =	shalt  }
0x79: {  	_ =	shalt  }
0x7a: {  	_ =	shalt  }
0x7b: {  	_ =	shalt  }
0x7c: {  	_ =	shalt  }
0x7d: {  	_ =	shalt  }
0x7e: {  	_ =	shalt  }
0x7f: {  	_ =	shalt  }
0x80: {  	_ =	shalt  }
0x81: {  	_ =	shalt  }
0x82: {  	_ =	shalt  }
0x83: {  	_ =	shalt  }
0x84: {  	_ =	shalt  }
0x85: {  	_ =	shalt  }
0x86: {  	_ =	shalt  }
0x87: {  	_ =	shalt  }
.Lfunc_end0:
.L_simem_size_0:
called_computation.1_lowered:
.L_overlay_start_0:
0x88: {  	s2 =	sld [smem:$0x3FD9]  }
0x89: {  	s3 =	sld [smem:$0x3FFE];
	_ =	sdelay $0x1  }
0x8a: {  	s1 =	srdreg.scid  }
0x8b: {  	s0 =	sand.u32 $0x1, s1  }
0x8c: {  	s14 =	sshll.u32 s0, $0xA;
	s2 =	sadd.s32 s3, s2  }
0x8d: {  	s2 =	sadd.s32 s2, s14  }
0x8e: {  	[smem:$0x3FC1] =	sst s2  }
0x8f: {  	_ = 	snop  }
0x90: {  	s2 =	sld [smem:$0x3FD0];
	_ =	sdelay $0x2  }
0x91: {  	s15 =	simm.s32 $0xA;
	s4 =	simm.s32 $0x10  }
0x92: {  	[smem:s4], [sflag:s15] =	dma.local [hbm:s2], $0x1  }
0x93: {  	_ =	swait.eq [sflag:s15], $0x1  }
0x94: {  	[sflag:s15] =	ssyncset.done $0x0  }
0x95: {  	[sflag:s15] =	ssyncadd.s32 $0xFFFFFFFF  }
0x96: {  	s16 =	sld [smem:$0x10];
	(tm) =	ssettm $0x1  }
0x97: {  	s17 =	sld [smem:$0x3FFB];
	_ =	sdelay $0x3  }
0x98: {  	_ =	strace s17  }
0x99: {  	s3 =	sld [smem:$0x3FFC];
	_ =	sdelay $0x3  }
0x9a: {  	_ =	strace s3  }
0x9b: {  	s3 =	sld [smem:$0x3FFD];
	_ =	sdelay $0x3  }
0x9c: {  	_ =	strace s3  }
0x9d: {  	_ =	strace $0x8FFFFFFF  }
0x9e: {  	s18 =	sld [smem:$0x3FDB];
	_ =	sdelay $0x1  }
0x9f: {  	s19 =	simm.s32 $_scs_section_size  }
0xa0: {  	s5 =	simm.s32 $_size__tile_overlayer_lowered;
	s6 =	simm.s32 $_tile_overlayer_lowered  }
0xa1: {  	s22 =	simm.s32 $0x1BFF;
	s21 =	sshll.u32 s6, $0x1;
	s3 =	sadd.s32 s19, s18  }
0xa2: {  	s7 =	simm.s32 $0x0;
	s20 =	sshll.u32 s5, $0x1;
	s5 =	sadd.s32 s21, s3  }
0xa3: {  	[timem:s7], [sflag:s22] =	dma.local [hbm:s5], s20  }
0xa4: {  	_ =	swait.ge [sflag:s22], s20  }
0xa5: {  	s4 =	ssub.s32 $0x0, s20;
	[sflag:s22] =	ssyncset.done $0x0  }
0xa6: {  	[sflag:s22] =	ssyncadd.s32 s4;
	_ =	sdelay $0x1  }
0xa7: {  	s23 =	simm.s32 $0x1B8B  }
0xa8: {  	_ =	swait.ge [sflag:s23], $0x1  }
0xa9: {  	[sflag:s23] =	ssyncset.done $0x0  }
0xaa: {  	s25 =	simm.s32 $0x1B8E;
	s24 =	sld [smem:$0x3FFE];
	[sflag:s23] =	ssyncadd.s32 $0xFFFFFFFF  }
0xab: {  	s26 =	simm.s32 $execute0_lowered;
	[smem:$0x3FD2] =	sst s25  }
0xac: {  	s5 =	sshll.u32 s26, $0x1;
	_ =	strace $0x80000049;
	[dreg:$0x1] =	wrdreg $0xFFFFFFFF  }
0xad: {  	s28 =	simm.s32 $_size_execute0_lowered;
	s3 =	sadd.s32 s3, s5;
	[dreg:$0x0] =	wrdreg $0x0  }
0xae: {  	s5 =	sshll.u32 s28, $0x1;
	[dreg:$0x2] =	wrdreg s3  }
0xaf: {  	[dreg:$0x3] =	wrdreg s5  }
0xb0: {  	[dreg:$0x4] =	wrdreg $0xC0  }
0xb1: {  	_ =	task [dreg:s7], $0x5FFFF  }
0xb2: {  	[dreg:$0x1] =	wrdreg $0xFFFFFFFF  }
0xb3: {  	[dreg:$0x0] =	wrdreg $0x60  }
0xb4: {  	[dreg:$0x2] =	wrdreg s24  }
0xb5: {  	[dreg:$0x3] =	wrdreg s16  }
0xb6: {  	[dreg:$0x4] =	wrdreg $0x9  }
0xb7: {  	_ =	task.clear_ibuf [dreg:s7], $0x5FFFF;
	_ =	strace $0x90000049  }
0xb8: {  	s29 =	simm.s32 $0x9;
	_ =	strace $0x8000004B  }
0xb9: {  	_ =	swait.ge [sflag:s29], $0x1  }
0xba: {  	[sflag:s29] =	ssyncadd.s32 $0xFFFFFFFF  }
0xbb: {  	_ =	strace $0x9000004B  }
0xbc: {  	_ =	sfence  }
0xbd: {  	s30 =	sld [smem:$0x0];
	_ =	sdelay $0x2  }
0xbe: {  	s31 =	sshll.u32 s1, $0xD;
	s1 =	sshrl.u32 s1, $0x2  }
0xbf: {  	s3 =	sand.u32 $0x4000, s31;
	s1 =	sadd.s32 s1, s30  }
0xc0: {  	s0 =	sor.u32 s3, s0;
	s1 =	sshll.u32 s1, $0x11  }
0xc1: {  	s0 =	sor.u32 s1, s0  }
0xc2: {  	s0 =	sadd.s32 $0x8F2B, s0  }
0xc3: {  	[sflag:s0] =	ssyncadd.remote.s32 $0x1  }
0xc4: {  	_ =	sfence.sel $0xFFFF  }
0xc5: {  	[dreg:$0x0] =	wrdreg $0xFFFFFFFF;
	(pc) =	sbr.abs _section_cstart, $3  }
0xc6: {  	[dreg:$0x1] =	wrdreg $0xFFFFFFFF  }
0xc7: {  	_ =	task.clear_ibuf [dreg:s7], $0x2FFFF;
	_ =	strace $0x9FFFFFFF  }
0xc8: {  	(tm) =	ssettm $0x7FFFFFFF  }
0xc9: {  	_ =	shalt  }
tec
execute0_lowered:
.L_overlay_start_1:
0x0: {  	(tag) =	ssettag $0x1  }
0x1: {  	s0 =	rddreg [dreg:$0x0]  }
0x2: {  	s1 =	rddreg [dreg:$0x1];
	s3 =	srdreg.scid  }
0x3: {  	s5 =	stileid.u32;
	s2 =	simm.s32 $0x0;
	s9 =	simm.s32 $0x3  }
0x4: {  	s10 =	simm.s32 $0x1;
	s20 =	simm.s32 $0x2;
	s22 =	simm.s32 $0xA00  }
0x5: {  	s28 =	simm.s32 $0x2A00;
	s29 =	simm.s32 $0x3200;
	s30 =	simm.s32 $0x3A00  }
0x6: {  	s31 =	simm.s32 $0x4200;
	s11 =	simm.s32 $0x5A00;
	s12 =	simm.s32 $0x6200  }
0x7: {  	s13 =	simm.s32 $0x6A00;
	s14 =	simm.s32 $0x7200;
	s15 =	simm.s32 $0x7A00  }
0x8: {  	s16 =	simm.s32 $0x8A00;
	s17 =	simm.s32 $0x9200;
	s18 =	simm.s32 $0x9A00  }
0x9: {  	s19 =	simm.s32 $0xA200;
	s4 =	sand.u32 $0x1, s3;
	s23 =	sshll.u32 s5, $0x1  }
0xa: {  	[smem:$0x7FF] =	sst s2;
	s3 =	sadd.s32 $0xC2400, s0;
	s5 =	sor.u32 s4, s23  }
0xb: {  	_ =	strace $0x8000004A;
	s4 =	ssub.s32 $0x2, s4;
	s23 =	simm.s32 $0x1200  }
0xc: {  	s6 =	sshll.u32 s5, $0x6;
	s5 =	sshll.u32 s5, $0xE;
	s24 =	sshrl.u32 s4, $0x1  }
0xd: {  	s6 =	sadd.s32 s6, s0;
	s7 =	sadd.s32 s1, s5;
	s1 =	ssub.s32 s4, s24  }
0xe: {  	s24 =	simm.s32 $0x1A00;
	s4 =	simm.s32 $0x8200;
	s6 =	sadd.s32 $0x1800, s6  }
0xf: {  	s5 =	sadd.s32 $0x1000, s7;
	s25 =	sadd.s32 $0x2000, s7;
	[dreg:$0x7] =	wrdreg s7  }
0x10: {  	s26 =	sadd.s32 $0x3000, s7;
	s7 =	sadd.s32 $0xC2700, s0;
	[dreg:$0x3] =	wrdreg s6  }
0x11: {  	v2 =	vlaneseq.u32;
	s8 =	smax.u32 s1, $0x1;
	s1 =	simm.s32 $0x5200;
	[dreg:$0x4] =	wrdreg s5  }
0x12: {  	vm0 =	vmmov $0xffff;
	v1 =	vshrl.u32 v2, $0x3;
	s5 =	sadd.s32 $0xC2500, s0;
	[dreg:$0x5] =	wrdreg s25;
	s6 =	sadd.s32 $0xC2600, s0  }
0x13: {  	v0 =	vand.u32 $0x7, v2;
	v2 =	vor.u32 $0x8, v2;
	v1 =	vmul.u32 $0x8, v1;
	[dreg:$0x6] =	wrdreg s26;
	s26 =	simm.s32 $0x200;
	s25 =	simm.s32 $0x2200  }
.LBB2_1:
0x14: {  	s21 =	rddreg [dreg:$0x3]  }
0x15: {  	[tilespmem:s2], [sflag:$0x3] =	stream.linear.gather [hbm4b:s21+s2], $0x200, $0x38;
	[tilespmem:$0x10200] =	vst v63  }
0x16: {  	_ =	swait.ge [sflag:s9], $0x200  }
0x17: {  	[sflag:s9] =	ssyncset.done $0x0  }
0x18: {  	[sflag:s9] =	ssyncadd.s32 $0xFFFFFE00  }
0x19: {  	v3 =	vld [tilespmem:$0x0];
	_ =	sdelay $0x4  }
0x1a: {  	v4 =	vshll.u32 v3, $0x3  }
0x1b: {  	v3 =	vand.u32 $0x7, v3;
	v4 =	vand.u32 $0xFFFFFFC0, v4  }
0x1c: {  	v3 =	vor.u32 v3, v4  }
0x1d: {  	v4 =	vperm.xlane v3, v0;
	_ =	sdelay $0x1  }
0x1e: {  	v4 =	vadd.s32 v1, v4;
	_ =	sdelay $0x4  }
0x1f: {  	[tilespmem:s26], [sflag:$0x1] =	stream.indirect_vreg.gather [hbm4b:s3+s2], $0x80, v4, vm0, $0xb8;
	[tilespmem:$0x10200] =	vst v63  }
0x20: {  	v3 =	vperm.xlane v3, v2  }
0x21: {  	[tilespmem:s22], [sflag:$0x1] =	stream.indirect_vreg.gather [hbm4b:s5+s2], $0x80, v4, vm0, $0xb8;
	[tilespmem:$0x10200] =	vst v63  }
0x22: {  	v3 =	vadd.s32 v1, v3  }
0x23: {  	[tilespmem:s23], [sflag:$0x1] =	stream.indirect_vreg.gather [hbm4b:s6+s2], $0x80, v4, vm0, $0xb8;
	[tilespmem:$0x10200] =	vst v63  }
0x24: {  	_ = 	snop  }
0x25: {  	[tilespmem:s24], [sflag:$0x1] =	stream.indirect_vreg.gather [hbm4b:s7+s2], $0x80, v4, vm0, $0xb8;
	[tilespmem:$0x10200] =	vst v63  }
0x26: {  	_ = 	snop  }
0x27: {  	[tilespmem:s25], [sflag:$0x1] =	stream.indirect_vreg.gather [hbm4b:s3+s2], $0x80, v3, vm0, $0xb8;
	[tilespmem:$0x10200] =	vst v63  }
0x28: {  	_ = 	snop  }
0x29: {  	[tilespmem:s28], [sflag:$0x1] =	stream.indirect_vreg.gather [hbm4b:s5+s2], $0x80, v3, vm0, $0xb8;
	[tilespmem:$0x10200] =	vst v63  }
0x2a: {  	_ = 	snop  }
0x2b: {  	[tilespmem:s29], [sflag:$0x1] =	stream.indirect_vreg.gather [hbm4b:s6+s2], $0x80, v3, vm0, $0xb8;
	[tilespmem:$0x10200] =	vst v63  }
0x2c: {  	_ = 	snop  }
0x2d: {  	[tilespmem:s30], [sflag:$0x1] =	stream.indirect_vreg.gather [hbm4b:s7+s2], $0x80, v3, vm0, $0xb8;
	[tilespmem:$0x10200] =	vst v63  }
0x2e: {  	v3 =	vld [tilespmem:$0x10];
	_ =	sdelay $0x4  }
0x2f: {  	v57 =	vshll.u32 v3, $0x3  }
0x30: {  	v3 =	vand.u32 $0x7, v3;
	v4 =	vand.u32 $0xFFFFFFC0, v57  }
0x31: {  	v3 =	vor.u32 v3, v4  }
0x32: {  	v4 =	vperm.xlane v3, v0;
	_ =	sdelay $0x1  }
0x33: {  	v4 =	vadd.s32 v1, v4;
	_ =	sdelay $0x4  }
0x34: {  	[tilespmem:s31], [sflag:$0x1] =	stream.indirect_vreg.gather [hbm4b:s3+s2], $0x80, v4, vm0, $0xb8;
	[tilespmem:$0x10200] =	vst v63  }
0x35: {  	s0 =	simm.s32 $0x4A00;
	v3 =	vperm.xlane v3, v2  }
0x36: {  	[tilespmem:s0], [sflag:$0x1] =	stream.indirect_vreg.gather [hbm4b:s5+s2], $0x80, v4, vm0, $0xb8;
	[tilespmem:$0x10200] =	vst v63  }
0x37: {  	v3 =	vadd.s32 v1, v3  }
0x38: {  	[tilespmem:s1], [sflag:$0x1] =	stream.indirect_vreg.gather [hbm4b:s6+s2], $0x80, v4, vm0, $0xb8;
	[tilespmem:$0x10200] =	vst v63  }
0x39: {  	_ = 	snop  }
0x3a: {  	[tilespmem:s11], [sflag:$0x1] =	stream.indirect_vreg.gather [hbm4b:s7+s2], $0x80, v4, vm0, $0xb8;
	[tilespmem:$0x10200] =	vst v63  }
0x3b: {  	_ = 	snop  }
0x3c: {  	[tilespmem:s12], [sflag:$0x1] =	stream.indirect_vreg.gather [hbm4b:s3+s2], $0x80, v3, vm0, $0xb8;
	[tilespmem:$0x10200] =	vst v63  }
0x3d: {  	_ = 	snop  }
0x3e: {  	[tilespmem:s13], [sflag:$0x1] =	stream.indirect_vreg.gather [hbm4b:s5+s2], $0x80, v3, vm0, $0xb8;
	[tilespmem:$0x10200] =	vst v63  }
0x3f: {  	_ = 	snop  }
0x40: {  	[tilespmem:s14], [sflag:$0x1] =	stream.indirect_vreg.gather [hbm4b:s6+s2], $0x80, v3, vm0, $0xb8;
	[tilespmem:$0x10200] =	vst v63  }
0x41: {  	_ = 	snop  }
0x42: {  	[tilespmem:s15], [sflag:$0x1] =	stream.indirect_vreg.gather [hbm4b:s7+s2], $0x80, v3, vm0, $0xb8;
	[tilespmem:$0x10200] =	vst v63  }
0x43: {  	v3 =	vld [tilespmem:$0x80];
	_ =	sdelay $0x4  }
0x44: {  	v58 =	vshll.u32 v3, $0x3  }
0x45: {  	v3 =	vand.u32 $0x7, v3;
	v4 =	vand.u32 $0xFFFFFFC0, v58  }
0x46: {  	v3 =	vor.u32 v3, v4  }
0x47: {  	v4 =	vperm.xlane v3, v0;
	_ =	sdelay $0x1  }
0x48: {  	v4 =	vadd.s32 v1, v4;
	_ =	sdelay $0x4  }
0x49: {  	[tilespmem:s4], [sflag:$0x2] =	stream.indirect_vreg.gather [hbm4b:s3+s2], $0x80, v4, vm0, $0xb8;
	[tilespmem:$0x10200] =	vst v63  }
0x4a: {  	v3 =	vperm.xlane v3, v2  }
0x4b: {  	[tilespmem:s16], [sflag:$0x2] =	stream.indirect_vreg.gather [hbm4b:s5+s2], $0x80, v4, vm0, $0xb8;
	[tilespmem:$0x10200] =	vst v63  }
0x4c: {  	v3 =	vadd.s32 v1, v3  }
0x4d: {  	[tilespmem:s17], [sflag:$0x2] =	stream.indirect_vreg.gather [hbm4b:s6+s2], $0x80, v4, vm0, $0xb8;
	[tilespmem:$0x10200] =	vst v63  }
0x4e: {  	_ = 	snop  }
0x4f: {  	[tilespmem:s18], [sflag:$0x2] =	stream.indirect_vreg.gather [hbm4b:s7+s2], $0x80, v4, vm0, $0xb8;
	[tilespmem:$0x10200] =	vst v63  }
0x50: {  	_ = 	snop  }
0x51: {  	[tilespmem:s19], [sflag:$0x2] =	stream.indirect_vreg.gather [hbm4b:s3+s2], $0x80, v3, vm0, $0xb8;
	[tilespmem:$0x10200] =	vst v63  }
0x52: {  	s21 =	simm.s32 $0xAA00  }
0x53: {  	[tilespmem:s21], [sflag:$0x2] =	stream.indirect_vreg.gather [hbm4b:s5+s2], $0x80, v3, vm0, $0xb8;
	[tilespmem:$0x10200] =	vst v63  }
0x54: {  	s21 =	simm.s32 $0xB200  }
0x55: {  	[tilespmem:s21], [sflag:$0x2] =	stream.indirect_vreg.gather [hbm4b:s6+s2], $0x80, v3, vm0, $0xb8;
	[tilespmem:$0x10200] =	vst v63  }
0x56: {  	s21 =	simm.s32 $0xBA00  }
0x57: {  	[tilespmem:s21], [sflag:$0x2] =	stream.indirect_vreg.gather [hbm4b:s7+s2], $0x80, v3, vm0, $0xb8;
	[tilespmem:$0x10200] =	vst v63  }
0x58: {  	v3 =	vld [tilespmem:$0x90];
	_ =	sdelay $0x4  }
0x59: {  	v59 =	vshll.u32 v3, $0x3  }
0x5a: {  	v3 =	vand.u32 $0x7, v3;
	v4 =	vand.u32 $0xFFFFFFC0, v59  }
0x5b: {  	v3 =	vor.u32 v3, v4  }
0x5c: {  	v4 =	vperm.xlane v3, v0;
	_ =	sdelay $0x1  }
0x5d: {  	v4 =	vadd.s32 v1, v4;
	_ =	sdelay $0x3  }
0x5e: {  	s21 =	simm.s32 $0xC200  }
0x5f: {  	[tilespmem:s21], [sflag:$0x2] =	stream.indirect_vreg.gather [hbm4b:s3+s2], $0x80, v4, vm0, $0xb8;
	[tilespmem:$0x10200] =	vst v63  }
0x60: {  	v3 =	vperm.xlane v3, v2;
	s21 =	simm.s32 $0xCA00  }
0x61: {  	[tilespmem:s21], [sflag:$0x2] =	stream.indirect_vreg.gather [hbm4b:s5+s2], $0x80, v4, vm0, $0xb8;
	[tilespmem:$0x10200] =	vst v63  }
0x62: {  	v3 =	vadd.s32 v1, v3;
	s21 =	simm.s32 $0xD200  }
0x63: {  	[tilespmem:s21], [sflag:$0x2] =	stream.indirect_vreg.gather [hbm4b:s6+s2], $0x80, v4, vm0, $0xb8;
	[tilespmem:$0x10200] =	vst v63  }
0x64: {  	s21 =	simm.s32 $0xDA00  }
0x65: {  	[tilespmem:s21], [sflag:$0x2] =	stream.indirect_vreg.gather [hbm4b:s7+s2], $0x80, v4, vm0, $0xb8;
	[tilespmem:$0x10200] =	vst v63  }
0x66: {  	s21 =	simm.s32 $0xE200  }
0x67: {  	[tilespmem:s21], [sflag:$0x2] =	stream.indirect_vreg.gather [hbm4b:s3+s2], $0x80, v3, vm0, $0xb8;
	[tilespmem:$0x10200] =	vst v63  }
0x68: {  	s21 =	simm.s32 $0xEA00  }
0x69: {  	[tilespmem:s21], [sflag:$0x2] =	stream.indirect_vreg.gather [hbm4b:s5+s2], $0x80, v3, vm0, $0xb8;
	[tilespmem:$0x10200] =	vst v63  }
0x6a: {  	s21 =	simm.s32 $0xF200  }
0x6b: {  	[tilespmem:s21], [sflag:$0x2] =	stream.indirect_vreg.gather [hbm4b:s6+s2], $0x80, v3, vm0, $0xb8;
	[tilespmem:$0x10200] =	vst v63  }
0x6c: {  	s21 =	simm.s32 $0xFA00  }
0x6d: {  	[tilespmem:s21], [sflag:$0x2] =	stream.indirect_vreg.gather [hbm4b:s7+s2], $0x80, v3, vm0, $0xb8;
	[tilespmem:$0x10200] =	vst v63  }
0x6e: {  	_ =	swait.ge [sflag:s10], $0x8000  }
0x6f: {  	[sflag:s10] =	ssyncset.done $0x0  }
0x70: {  	s21 =	rddreg [dreg:$0x7];
	[sflag:s10] =	ssyncadd.s32 $0xFFFF8000  }
0x71: {  	[hbm4b:s21+s2] =	stream.linear.scatter [tilespmem:s26], [sflag:$0x3], $0x8000, $0x38;
	[tilespmem:$0x10200] =	vst v63  }
0x72: {  	_ =	swait.ge [sflag:s9], $0x8000  }
0x73: {  	[sflag:s9] =	ssyncset.done $0x0  }
0x74: {  	[sflag:s9] =	ssyncadd.s32 $0xFFFF8000  }
0x75: {  	v3 =	vld [tilespmem:$0x100];
	_ =	sdelay $0x4  }
0x76: {  	v60 =	vshll.u32 v3, $0x3  }
0x77: {  	v3 =	vand.u32 $0x7, v3;
	v4 =	vand.u32 $0xFFFFFFC0, v60  }
0x78: {  	v3 =	vor.u32 v3, v4  }
0x79: {  	v4 =	vperm.xlane v3, v0;
	_ =	sdelay $0x1  }
0x7a: {  	v4 =	vadd.s32 v1, v4;
	_ =	sdelay $0x4  }
0x7b: {  	[tilespmem:s26], [sflag:$0x1] =	stream.indirect_vreg.gather [hbm4b:s3+s2], $0x80, v4, vm0, $0xb8;
	[tilespmem:$0x10200] =	vst v63  }
0x7c: {  	v3 =	vperm.xlane v3, v2  }
0x7d: {  	[tilespmem:s22], [sflag:$0x1] =	stream.indirect_vreg.gather [hbm4b:s5+s2], $0x80, v4, vm0, $0xb8;
	[tilespmem:$0x10200] =	vst v63  }
0x7e: {  	v3 =	vadd.s32 v1, v3  }
0x7f: {  	[tilespmem:s23], [sflag:$0x1] =	stream.indirect_vreg.gather [hbm4b:s6+s2], $0x80, v4, vm0, $0xb8;
	[tilespmem:$0x10200] =	vst v63  }
0x80: {  	_ = 	snop  }
0x81: {  	[tilespmem:s24], [sflag:$0x1] =	stream.indirect_vreg.gather [hbm4b:s7+s2], $0x80, v4, vm0, $0xb8;
	[tilespmem:$0x10200] =	vst v63  }
0x82: {  	_ = 	snop  }
0x83: {  	[tilespmem:s25], [sflag:$0x1] =	stream.indirect_vreg.gather [hbm4b:s3+s2], $0x80, v3, vm0, $0xb8;
	[tilespmem:$0x10200] =	vst v63  }
0x84: {  	_ = 	snop  }
0x85: {  	[tilespmem:s28], [sflag:$0x1] =	stream.indirect_vreg.gather [hbm4b:s5+s2], $0x80, v3, vm0, $0xb8;
	[tilespmem:$0x10200] =	vst v63  }
0x86: {  	_ = 	snop  }
0x87: {  	[tilespmem:s29], [sflag:$0x1] =	stream.indirect_vreg.gather [hbm4b:s6+s2], $0x80, v3, vm0, $0xb8;
	[tilespmem:$0x10200] =	vst v63  }
0x88: {  	_ = 	snop  }
0x89: {  	[tilespmem:s30], [sflag:$0x1] =	stream.indirect_vreg.gather [hbm4b:s7+s2], $0x80, v3, vm0, $0xb8;
	[tilespmem:$0x10200] =	vst v63  }
0x8a: {  	v3 =	vld [tilespmem:$0x110];
	_ =	sdelay $0x4  }
0x8b: {  	v61 =	vshll.u32 v3, $0x3  }
0x8c: {  	v3 =	vand.u32 $0x7, v3;
	v4 =	vand.u32 $0xFFFFFFC0, v61  }
0x8d: {  	v3 =	vor.u32 v3, v4  }
0x8e: {  	v4 =	vperm.xlane v3, v0;
	_ =	sdelay $0x1  }
0x8f: {  	v4 =	vadd.s32 v1, v4;
	_ =	sdelay $0x4  }
0x90: {  	[tilespmem:s31], [sflag:$0x1] =	stream.indirect_vreg.gather [hbm4b:s3+s2], $0x80, v4, vm0, $0xb8;
	[tilespmem:$0x10200] =	vst v63  }
0x91: {  	v3 =	vperm.xlane v3, v2  }
0x92: {  	[tilespmem:s0], [sflag:$0x1] =	stream.indirect_vreg.gather [hbm4b:s5+s2], $0x80, v4, vm0, $0xb8;
	[tilespmem:$0x10200] =	vst v63  }
0x93: {  	v3 =	vadd.s32 v1, v3  }
0x94: {  	[tilespmem:s1], [sflag:$0x1] =	stream.indirect_vreg.gather [hbm4b:s6+s2], $0x80, v4, vm0, $0xb8;
	[tilespmem:$0x10200] =	vst v63  }
0x95: {  	_ = 	snop  }
0x96: {  	[tilespmem:s11], [sflag:$0x1] =	stream.indirect_vreg.gather [hbm4b:s7+s2], $0x80, v4, vm0, $0xb8;
	[tilespmem:$0x10200] =	vst v63  }
0x97: {  	_ = 	snop  }
0x98: {  	[tilespmem:s12], [sflag:$0x1] =	stream.indirect_vreg.gather [hbm4b:s3+s2], $0x80, v3, vm0, $0xb8;
	[tilespmem:$0x10200] =	vst v63  }
0x99: {  	_ = 	snop  }
0x9a: {  	[tilespmem:s13], [sflag:$0x1] =	stream.indirect_vreg.gather [hbm4b:s5+s2], $0x80, v3, vm0, $0xb8;
	[tilespmem:$0x10200] =	vst v63  }
0x9b: {  	_ = 	snop  }
0x9c: {  	[tilespmem:s14], [sflag:$0x1] =	stream.indirect_vreg.gather [hbm4b:s6+s2], $0x80, v3, vm0, $0xb8;
	[tilespmem:$0x10200] =	vst v63  }
0x9d: {  	_ = 	snop  }
0x9e: {  	[tilespmem:s15], [sflag:$0x1] =	stream.indirect_vreg.gather [hbm4b:s7+s2], $0x80, v3, vm0, $0xb8;
	[tilespmem:$0x10200] =	vst v63  }
0x9f: {  	_ =	swait.ge [sflag:s20], $0x8000  }
0xa0: {  	[sflag:s20] =	ssyncset.done $0x0  }
0xa1: {  	s0 =	rddreg [dreg:$0x4];
	[sflag:s20] =	ssyncadd.s32 $0xFFFF8000  }
0xa2: {  	[hbm4b:s0+s2] =	stream.linear.scatter [tilespmem:s4], [sflag:$0x3], $0x8000, $0x38;
	[tilespmem:$0x10200] =	vst v63  }
0xa3: {  	_ =	swait.ge [sflag:s9], $0x8000  }
0xa4: {  	[sflag:s9] =	ssyncset.done $0x0  }
0xa5: {  	[sflag:s9] =	ssyncadd.s32 $0xFFFF8000  }
0xa6: {  	v3 =	vld [tilespmem:$0x180];
	_ =	sdelay $0x4  }
0xa7: {  	v62 =	vshll.u32 v3, $0x3  }
0xa8: {  	v3 =	vand.u32 $0x7, v3;
	v4 =	vand.u32 $0xFFFFFFC0, v62  }
0xa9: {  	v3 =	vor.u32 v3, v4  }
0xaa: {  	v4 =	vperm.xlane v3, v0;
	_ =	sdelay $0x1  }
0xab: {  	v4 =	vadd.s32 v1, v4;
	_ =	sdelay $0x4  }
0xac: {  	[tilespmem:s4], [sflag:$0x2] =	stream.indirect_vreg.gather [hbm4b:s3+s2], $0x80, v4, vm0, $0xb8;
	[tilespmem:$0x10200] =	vst v63  }
0xad: {  	v3 =	vperm.xlane v3, v2  }
0xae: {  	[tilespmem:s16], [sflag:$0x2] =	stream.indirect_vreg.gather [hbm4b:s5+s2], $0x80, v4, vm0, $0xb8;
	[tilespmem:$0x10200] =	vst v63  }
0xaf: {  	v3 =	vadd.s32 v1, v3  }
0xb0: {  	[tilespmem:s17], [sflag:$0x2] =	stream.indirect_vreg.gather [hbm4b:s6+s2], $0x80, v4, vm0, $0xb8;
	[tilespmem:$0x10200] =	vst v63  }
0xb1: {  	_ = 	snop  }
0xb2: {  	[tilespmem:s18], [sflag:$0x2] =	stream.indirect_vreg.gather [hbm4b:s7+s2], $0x80, v4, vm0, $0xb8;
	[tilespmem:$0x10200] =	vst v63  }
0xb3: {  	_ = 	snop  }
0xb4: {  	[tilespmem:s19], [sflag:$0x2] =	stream.indirect_vreg.gather [hbm4b:s3+s2], $0x80, v3, vm0, $0xb8;
	[tilespmem:$0x10200] =	vst v63  }
0xb5: {  	s21 =	simm.s32 $0xAA00  }
0xb6: {  	[tilespmem:s21], [sflag:$0x2] =	stream.indirect_vreg.gather [hbm4b:s5+s2], $0x80, v3, vm0, $0xb8;
	[tilespmem:$0x10200] =	vst v63  }
0xb7: {  	s21 =	simm.s32 $0xB200  }
0xb8: {  	[tilespmem:s21], [sflag:$0x2] =	stream.indirect_vreg.gather [hbm4b:s6+s2], $0x80, v3, vm0, $0xb8;
	[tilespmem:$0x10200] =	vst v63  }
0xb9: {  	s21 =	simm.s32 $0xBA00  }
0xba: {  	[tilespmem:s21], [sflag:$0x2] =	stream.indirect_vreg.gather [hbm4b:s7+s2], $0x80, v3, vm0, $0xb8;
	[tilespmem:$0x10200] =	vst v63  }
0xbb: {  	v3 =	vld [tilespmem:$0x190];
	_ =	sdelay $0x4  }
0xbc: {  	v63 =	vshll.u32 v3, $0x3  }
0xbd: {  	v3 =	vand.u32 $0x7, v3;
	v4 =	vand.u32 $0xFFFFFFC0, v63  }
0xbe: {  	v3 =	vor.u32 v3, v4  }
0xbf: {  	v4 =	vperm.xlane v3, v0;
	_ =	sdelay $0x1  }
0xc0: {  	v4 =	vadd.s32 v1, v4;
	_ =	sdelay $0x3  }
0xc1: {  	s21 =	simm.s32 $0xC200  }
0xc2: {  	[tilespmem:s21], [sflag:$0x2] =	stream.indirect_vreg.gather [hbm4b:s3+s2], $0x80, v4, vm0, $0xb8;
	[tilespmem:$0x10200] =	vst v63  }
0xc3: {  	v3 =	vperm.xlane v3, v2;
	s21 =	simm.s32 $0xCA00  }
0xc4: {  	[tilespmem:s21], [sflag:$0x2] =	stream.indirect_vreg.gather [hbm4b:s5+s2], $0x80, v4, vm0, $0xb8;
	[tilespmem:$0x10200] =	vst v63  }
0xc5: {  	v3 =	vadd.s32 v1, v3;
	s21 =	simm.s32 $0xD200  }
0xc6: {  	[tilespmem:s21], [sflag:$0x2] =	stream.indirect_vreg.gather [hbm4b:s6+s2], $0x80, v4, vm0, $0xb8;
	[tilespmem:$0x10200] =	vst v63  }
0xc7: {  	s21 =	simm.s32 $0xDA00  }
0xc8: {  	[tilespmem:s21], [sflag:$0x2] =	stream.indirect_vreg.gather [hbm4b:s7+s2], $0x80, v4, vm0, $0xb8;
	[tilespmem:$0x10200] =	vst v63  }
0xc9: {  	s21 =	simm.s32 $0xE200  }
0xca: {  	[tilespmem:s21], [sflag:$0x2] =	stream.indirect_vreg.gather [hbm4b:s3+s2], $0x80, v3, vm0, $0xb8;
	[tilespmem:$0x10200] =	vst v63  }
0xcb: {  	s21 =	simm.s32 $0xEA00  }
0xcc: {  	[tilespmem:s21], [sflag:$0x2] =	stream.indirect_vreg.gather [hbm4b:s5+s2], $0x80, v3, vm0, $0xb8;
	[tilespmem:$0x10200] =	vst v63  }
0xcd: {  	s21 =	simm.s32 $0xF200  }
0xce: {  	[tilespmem:s21], [sflag:$0x2] =	stream.indirect_vreg.gather [hbm4b:s6+s2], $0x80, v3, vm0, $0xb8;
	[tilespmem:$0x10200] =	vst v63  }
0xcf: {  	s21 =	simm.s32 $0xFA00  }
0xd0: {  	[tilespmem:s21], [sflag:$0x2] =	stream.indirect_vreg.gather [hbm4b:s7+s2], $0x80, v3, vm0, $0xb8;
	[tilespmem:$0x10200] =	vst v63  }
0xd1: {  	_ =	swait.ge [sflag:s10], $0x8000  }
0xd2: {  	[sflag:s10] =	ssyncset.done $0x0  }
0xd3: {  	s0 =	rddreg [dreg:$0x5];
	[sflag:s10] =	ssyncadd.s32 $0xFFFF8000  }
0xd4: {  	[hbm4b:s0+s2] =	stream.linear.scatter [tilespmem:s26], [sflag:$0x3], $0x8000, $0x38;
	[tilespmem:$0x10200] =	vst v63  }
0xd5: {  	_ =	swait.ge [sflag:s9], $0x8000  }
0xd6: {  	[sflag:s9] =	ssyncset.done $0x0  }
0xd7: {  	[sflag:s9] =	ssyncadd.s32 $0xFFFF8000  }
0xd8: {  	_ =	swait.ge [sflag:s20], $0x8000  }
0xd9: {  	p0 =	sne.s32 s8, $0x1;
	[sflag:s20] =	ssyncset.done $0x0  }
.Ltmp0:
0xda: {  	s0 =	rddreg [dreg:$0x6];
	[sflag:s20] =	ssyncadd.s32 $0xFFFF8000;
	(pc) =	sbr.rel @p0 .LBB2_1-.Ltmp0, $4  }
0xdb: {  	[hbm4b:s0+s2] =	stream.linear.scatter [tilespmem:s4], [sflag:$0x3], $0x8000, $0x38;
	[tilespmem:$0x10200] =	vst v63  }
0xdc: {  	_ =	swait.ge [sflag:s9], $0x8000  }
0xdd: {  	[sflag:s9] =	ssyncset.done $0x0  }
0xde: {  	s8 =	sadd.s32 $0xFFFFFFFF, s8;
	[sflag:s9] =	ssyncadd.s32 $0xFFFF8000  }
0xdf: {  	_ =	sfence.sel $0x180000  }
0xe0: {  	[bflag:$0x0] =	sbarrier.arrive $0xFFFF  }
0xe1: {  	_ =	strace $0x9000004A  }
0xe2: {  	s0 =	stileid.u32;
	[bflag:$0x2] =	sbarrier.arrive $0xFFFF  }
0xe3: {  	p0 =	sne.s32 s0, $0x0;
	s0 =	rddreg [dreg:$0x2]  }
0xe4: {  	s0 =	sadd.s32 @!p0 $0x100000, s0  }
0xe5: {  	[sflag:s0] =	ssyncadd.tile.s32 @!p0 $0x1;
	_ =	shalt  }
.Lfunc_end2:
_tile_overlayer_lowered:
.L_overlay_start_2:
0xe6: {  	(tag) =	ssettag $0x2  }
0xe7: {  	s0 =	rddreg [dreg:$0x0];
	s2 =	stileid.u32  }
0xe8: {  	s1 =	rddreg [dreg:$0x1];
	p0 =	sne.s32 s2, $0x0  }
0xe9: {  	s3 =	rddreg [dreg:$0x2];
	[bflag:$0x3] =	sbarrier.arrive $0xFFFF;
	s2 =	simm.s32 @!p0 $0x1C03  }
0xea: {  	[timem:s3], [sflag:s2] =	dma.local @!p0 [hbm:s0], s1  }
0xeb: {  	s0 =	simm.s32 @!p0 $0x3  }
0xec: {  	_ =	swait.ge @!p0 [sflag:s0], s1  }
0xed: {  	s1 =	ssub.s32 @!p0 $0x0, s1;
	[sflag:s0] =	ssyncset.done @!p0 $0x0  }
0xee: {  	[sflag:s0] =	ssyncadd.s32 @!p0 s1  }
0xef: {  	[bflag:$0x3] =	sbarrier.arrive $0xFFFF  }
0xf0: {  	_ =	shalt  }

</sc_bundles>
